<compile_context>
chip_gen: v7x
topology: tpu7x:2x2x1
jax: 0.10.2.dev20260603
libtpu: 0.0.44.dev20260713+nightly
codegen_flags: <defaults>
</compile_context>

<pallas_src>
import functools

import jax
import jax.numpy as jnp
from jax import lax
from jax.experimental import pallas as pl
from jax.experimental.pallas import tpu as pltpu
from jax.experimental.pallas import tpu_sc as plsc

EMB_D = 128
CHUNK = 128
NBUF = 4
K_AHEAD = 2


def _make_sc_gather(n_rows, d):
    info = plsc.get_sparse_core_info()
    nc, ns = info.num_cores, info.num_subcores
    nw = nc * ns
    per_w = n_rows // nw
    n_chunks = per_w // CHUNK
    idx_rows = per_w // CHUNK
    n_outer = n_chunks // NBUF

    mesh = plsc.VectorSubcoreMesh(core_axis_name="c", subcore_axis_name="s")

    @functools.partial(
        pl.kernel,
        mesh=mesh,
        out_type=jax.ShapeDtypeStruct((n_rows, d), jnp.float32),
        scratch_types=[
            pltpu.VMEM((idx_rows, CHUNK), jnp.int32),
            pltpu.VMEM((NBUF, CHUNK, d), jnp.float32),
            pltpu.SemaphoreType.DMA((NBUF,)),
            pltpu.SemaphoreType.DMA((NBUF,)),
        ],
    )
    def gather_kernel(table_hbm, idx_hbm, out_hbm, idx_v, bufs, gsem, osem):
        wid = lax.axis_index("s") * nc + lax.axis_index("c")
        base = wid * per_w
        pltpu.sync_copy(idx_hbm.at[pl.ds(wid * idx_rows, idx_rows)], idx_v)

        def start_gather(g, b):
            pltpu.async_copy(table_hbm.at[idx_v.at[g]], bufs.at[b], gsem.at[b])

        def chunk(g, b, osem_wait, issue):
            if osem_wait:
                pltpu.make_async_copy(
                    bufs.at[b], out_hbm.at[pl.ds(base, CHUNK)], osem.at[b]
                ).wait()
            pltpu.async_copy(
                bufs.at[b], out_hbm.at[pl.ds(base + g * CHUNK, CHUNK)], osem.at[b]
            )

        chunk(0, 0, osem_wait=False, issue=True)
        chunk(1, 1, osem_wait=False, issue=True)
        chunk(2, 2, osem_wait=False, issue=True)
        chunk(3, 3, osem_wait=False, issue=True)

        def outer(o, _):
            g0 = o * NBUF
            for b in range(NBUF):
                chunk(g0 + b, b, osem_wait=True, issue=True)
            return _

        lax.fori_loop(1, n_outer - 1, outer, None)

        g0 = (n_outer - 1) * NBUF
        chunk(g0 + 0, 0, osem_wait=True, issue=False)
        chunk(g0 + 1, 1, osem_wait=True, issue=False)
        chunk(g0 + 2, 2, osem_wait=True, issue=False)
        chunk(g0 + 3, 3, osem_wait=True, issue=False)

        for b in range(NBUF):
            pltpu.make_async_copy(
                bufs.at[b], out_hbm.at[pl.ds(base, CHUNK)], osem.at[b]
            ).wait()

    return gather_kernel


def kernel(positions, pe):
    b, s = positions.shape
    n_rows = b * s
    idx2d = positions.reshape(n_rows // CHUNK, CHUNK)
    fn = _make_sc_gather(n_rows, pe.shape[1])
    out = fn(pe, idx2d)
    return out.reshape(b, s, pe.shape[1])

# --- scband reference (transcript-rebuilt; emitter-appended) ---
"""Pipeline reference for scband-sinusoidal-positional-embedding-56745107915382 (READ-ONLY COPY).

The authoritative reference and input builder live on the scoring server;
editing this copy changes nothing except your own understanding.
"""

import jax, jax.numpy as jnp
import numpy as np
import math

EMBEDDING_DIM = 128
MAX_LENGTH = 8192
BASE = 10000.0
BATCH = 32
SEQ = 8192


def _sinusoidal_position_encoding(length, embedding_dim, base=10000.0):
    positions = np.arange(length, dtype=np.float64)[:, None]
    div_input = np.arange(0, embedding_dim, 2, dtype=np.float64)
    div_term = np.exp(div_input * (-math.log(base) / embedding_dim))
    angles = positions * div_term
    pe = np.zeros((length, embedding_dim), dtype=np.float32)
    pe[:, 0::2] = np.sin(angles)
    if embedding_dim % 2 == 0:
        pe[:, 1::2] = np.cos(angles)
    else:
        pe[:, 1::2] = np.cos(angles)[:, : embedding_dim // 2]
    return jnp.asarray(pe)


def setup_inputs(seed: int = 0) -> dict:
    key = jax.random.key(seed)
    k_pos = jax.random.fold_in(key, 1)
    positions = jax.random.randint(k_pos, (BATCH, SEQ), 0, MAX_LENGTH, dtype=jnp.int32)
    pe = _sinusoidal_position_encoding(MAX_LENGTH, EMBEDDING_DIM, base=BASE)
    return {"positions": positions, "pe": pe}


def reference(positions, pe):
    flat_positions = positions.reshape(-1)
    gathered = jnp.take(pe, flat_positions, axis=0)
    return gathered.reshape(positions.shape[0], positions.shape[1], pe.shape[1])

if __name__ == "__main__":
    import jax
    _d = setup_inputs()
    print(jax.jit(kernel)(*tuple(_d.values())))

</pallas_src>

<mosaic_0001>
#map = affine_map<(d0, d1) -> (0, 0)>
module attributes {stable_mosaic.version = 14 : i64} {
  func.func @gather_kernel(%arg0: i32, %arg1: i32, %arg2: memref<8192x128xf32, #tpu.memory_space<hbm>>, %arg3: memref<2048x128xi32, #tpu.memory_space<hbm>>, %arg4: memref<262144x128xf32, #tpu.memory_space<hbm>>, %arg5: memref<64x128xi32, #tpu.memory_space<vmem>>, %arg6: memref<4x128x128xf32, #tpu.memory_space<vmem>>, %arg7: memref<4x!tpu.dma_semaphore, #tpu.memory_space<semaphore_mem>>, %arg8: memref<4x!tpu.dma_semaphore, #tpu.memory_space<semaphore_mem>>) attributes {dimension_semantics = [#tpu.dimension_semantics<core_parallel>, #tpu.dimension_semantics<subcore_parallel>], iteration_bounds = array<i64: 2, 16>, scalar_prefetch = 0 : i64, scratch_operands = 4 : i64, tpu.core_type = #tpu.core_type<sc_vector_subcore>, window_params = [{transform_indices = #map}, {transform_indices = #map}, {transform_indices = #map}]} {
    %mul3A = arith.constant 2 : i32
    %mul3A_0 = arith.muli %arg1, %mul3A : i32
    %add3A = arith.addi %mul3A_0, %arg0 : i32
    %mul3A_1 = arith.constant 8192 : i32
    %mul3A_2 = arith.muli %add3A, %mul3A_1 : i32
    %mul3A_3 = arith.constant 64 : i32
    %mul3A_4 = arith.muli %add3A, %mul3A_3 : i32
    "tpu.region"() ({
      %run_scoped3A = tpu.sem_alloc : memref<!tpu.dma_semaphore, #tpu.memory_space<semaphore_mem>>
      %dma_start3A_279 = arith.constant 0 : i32
      %dma_start3A_280 = tpu.memref_slice %arg3[%mul3A_4, %dma_start3A_279] : memref<2048x128xi32, #tpu.memory_space<hbm>> -> memref<64x128xi32, #tpu.memory_space<hbm>>
      %dma_start3A_281 = arith.constant 0 : i32
      %dma_start3A_282 = tpu.memref_slice %arg3[%mul3A_4, %dma_start3A_281] : memref<2048x128xi32, #tpu.memory_space<hbm>> -> memref<64x128xi32, #tpu.memory_space<hbm>>
      tpu.enqueue_dma source(%dma_start3A_282 : memref<64x128xi32, #tpu.memory_space<hbm>>) target(%arg5 : memref<64x128xi32, #tpu.memory_space<vmem>>) target_semaphore(%run_scoped3A : memref<!tpu.dma_semaphore, #tpu.memory_space<semaphore_mem>>)
      %dma_wait3A_283 = arith.constant 0 : i32
      %dma_wait3A_284 = tpu.memref_slice %arg3[%mul3A_4, %dma_wait3A_283] : memref<2048x128xi32, #tpu.memory_space<hbm>> -> memref<64x128xi32, #tpu.memory_space<hbm>>
      %dma_wait3A_285 = arith.constant 0 : i32
      %dma_wait3A_286 = tpu.memref_slice %arg3[%mul3A_4, %dma_wait3A_285] : memref<2048x128xi32, #tpu.memory_space<hbm>> -> memref<64x128xi32, #tpu.memory_space<hbm>>
      tpu.wait_dma2 semaphore(%run_scoped3A : memref<!tpu.dma_semaphore, #tpu.memory_space<semaphore_mem>>) src(%dma_wait3A_286 : memref<64x128xi32, #tpu.memory_space<hbm>>) dst(%arg5 : memref<64x128xi32, #tpu.memory_space<vmem>>)
      tpu.yield
    }) : () -> ()
    %add3A_5 = arith.constant 0 : i32
    %add3A_6 = arith.addi %mul3A_2, %add3A_5 : i32
    %dma_start3A = arith.constant 0 : i32
    %dma_start3A_7 = arith.constant 0 : i32
    %dma_start3A_8 = arith.constant 0 : i32
    %dma_start3A_9 = arith.constant 0 : i32
    %dma_start3A_10 = tpu.memref_slice %arg6[%dma_start3A, %dma_start3A_8, %dma_start3A_9] : memref<4x128x128xf32, #tpu.memory_space<vmem>> -> memref<1x128x128xf32, #tpu.memory_space<vmem>>
    %dma_start3A_11 = tpu.memref_squeeze %dma_start3A_10 : memref<1x128x128xf32, #tpu.memory_space<vmem>> -> memref<128x128xf32, #tpu.memory_space<vmem>>
    %dma_start3A_12 = arith.constant 0 : i32
    %dma_start3A_13 = tpu.memref_slice %arg4[%add3A_6, %dma_start3A_12] : memref<262144x128xf32, #tpu.memory_space<hbm>> -> memref<128x128xf32, #tpu.memory_space<hbm>>
    %dma_start3A_14 = tpu.memref_slice %arg8[%dma_start3A_7] : memref<4x!tpu.dma_semaphore, #tpu.memory_space<semaphore_mem>> -> memref<1x!tpu.dma_semaphore, #tpu.memory_space<semaphore_mem>>
    %dma_start3A_15 = tpu.memref_squeeze %dma_start3A_14 : memref<1x!tpu.dma_semaphore, #tpu.memory_space<semaphore_mem>> -> memref<!tpu.dma_semaphore, #tpu.memory_space<semaphore_mem>>
    %dma_start3A_16 = arith.constant 0 : i32
    %dma_start3A_17 = tpu.memref_slice %arg4[%add3A_6, %dma_start3A_16] : memref<262144x128xf32, #tpu.memory_space<hbm>> -> memref<128x128xf32, #tpu.memory_space<hbm>>
    %dma_start3A_18 = arith.constant 0 : i32
    %dma_start3A_19 = arith.constant 0 : i32
    %dma_start3A_20 = tpu.memref_slice %arg6[%dma_start3A, %dma_start3A_18, %dma_start3A_19] : memref<4x128x128xf32, #tpu.memory_space<vmem>> -> memref<1x128x128xf32, #tpu.memory_space<vmem>>
    %dma_start3A_21 = tpu.memref_squeeze %dma_start3A_20 : memref<1x128x128xf32, #tpu.memory_space<vmem>> -> memref<128x128xf32, #tpu.memory_space<vmem>>
    tpu.enqueue_dma source(%dma_start3A_21 : memref<128x128xf32, #tpu.memory_space<vmem>>) target(%dma_start3A_17 : memref<128x128xf32, #tpu.memory_space<hbm>>) target_semaphore(%dma_start3A_15 : memref<!tpu.dma_semaphore, #tpu.memory_space<semaphore_mem>>)
    %add3A_22 = arith.constant 128 : i32
    %add3A_23 = arith.addi %mul3A_2, %add3A_22 : i32
    %dma_start3A_24 = arith.constant 1 : i32
    %dma_start3A_25 = arith.constant 1 : i32
    %dma_start3A_26 = arith.constant 0 : i32
    %dma_start3A_27 = arith.constant 0 : i32
    %dma_start3A_28 = tpu.memref_slice %arg6[%dma_start3A_24, %dma_start3A_26, %dma_start3A_27] : memref<4x128x128xf32, #tpu.memory_space<vmem>> -> memref<1x128x128xf32, #tpu.memory_space<vmem>>
    %dma_start3A_29 = tpu.memref_squeeze %dma_start3A_28 : memref<1x128x128xf32, #tpu.memory_space<vmem>> -> memref<128x128xf32, #tpu.memory_space<vmem>>
    %dma_start3A_30 = arith.constant 0 : i32
    %dma_start3A_31 = tpu.memref_slice %arg4[%add3A_23, %dma_start3A_30] : memref<262144x128xf32, #tpu.memory_space<hbm>> -> memref<128x128xf32, #tpu.memory_space<hbm>>
    %dma_start3A_32 = tpu.memref_slice %arg8[%dma_start3A_25] : memref<4x!tpu.dma_semaphore, #tpu.memory_space<semaphore_mem>> -> memref<1x!tpu.dma_semaphore, #tpu.memory_space<semaphore_mem>>
    %dma_start3A_33 = tpu.memref_squeeze %dma_start3A_32 : memref<1x!tpu.dma_semaphore, #tpu.memory_space<semaphore_mem>> -> memref<!tpu.dma_semaphore, #tpu.memory_space<semaphore_mem>>
    %dma_start3A_34 = arith.constant 0 : i32
    %dma_start3A_35 = tpu.memref_slice %arg4[%add3A_23, %dma_start3A_34] : memref<262144x128xf32, #tpu.memory_space<hbm>> -> memref<128x128xf32, #tpu.memory_space<hbm>>
    %dma_start3A_36 = arith.constant 0 : i32
    %dma_start3A_37 = arith.constant 0 : i32
    %dma_start3A_38 = tpu.memref_slice %arg6[%dma_start3A_24, %dma_start3A_36, %dma_start3A_37] : memref<4x128x128xf32, #tpu.memory_space<vmem>> -> memref<1x128x128xf32, #tpu.memory_space<vmem>>
    %dma_start3A_39 = tpu.memref_squeeze %dma_start3A_38 : memref<1x128x128xf32, #tpu.memory_space<vmem>> -> memref<128x128xf32, #tpu.memory_space<vmem>>
    tpu.enqueue_dma source(%dma_start3A_39 : memref<128x128xf32, #tpu.memory_space<vmem>>) target(%dma_start3A_35 : memref<128x128xf32, #tpu.memory_space<hbm>>) target_semaphore(%dma_start3A_33 : memref<!tpu.dma_semaphore, #tpu.memory_space<semaphore_mem>>)
    %add3A_40 = arith.constant 256 : i32
    %add3A_41 = arith.addi %mul3A_2, %add3A_40 : i32
    %dma_start3A_42 = arith.constant 2 : i32
    %dma_start3A_43 = arith.constant 2 : i32
    %dma_start3A_44 = arith.constant 0 : i32
    %dma_start3A_45 = arith.constant 0 : i32
    %dma_start3A_46 = tpu.memref_slice %arg6[%dma_start3A_42, %dma_start3A_44, %dma_start3A_45] : memref<4x128x128xf32, #tpu.memory_space<vmem>> -> memref<1x128x128xf32, #tpu.memory_space<vmem>>
    %dma_start3A_47 = tpu.memref_squeeze %dma_start3A_46 : memref<1x128x128xf32, #tpu.memory_space<vmem>> -> memref<128x128xf32, #tpu.memory_space<vmem>>
    %dma_start3A_48 = arith.constant 0 : i32
    %dma_start3A_49 = tpu.memref_slice %arg4[%add3A_41, %dma_start3A_48] : memref<262144x128xf32, #tpu.memory_space<hbm>> -> memref<128x128xf32, #tpu.memory_space<hbm>>
    %dma_start3A_50 = tpu.memref_slice %arg8[%dma_start3A_43] : memref<4x!tpu.dma_semaphore, #tpu.memory_space<semaphore_mem>> -> memref<1x!tpu.dma_semaphore, #tpu.memory_space<semaphore_mem>>
    %dma_start3A_51 = tpu.memref_squeeze %dma_start3A_50 : memref<1x!tpu.dma_semaphore, #tpu.memory_space<semaphore_mem>> -> memref<!tpu.dma_semaphore, #tpu.memory_space<semaphore_mem>>
    %dma_start3A_52 = arith.constant 0 : i32
    %dma_start3A_53 = tpu.memref_slice %arg4[%add3A_41, %dma_start3A_52] : memref<262144x128xf32, #tpu.memory_space<hbm>> -> memref<128x128xf32, #tpu.memory_space<hbm>>
    %dma_start3A_54 = arith.constant 0 : i32
    %dma_start3A_55 = arith.constant 0 : i32
    %dma_start3A_56 = tpu.memref_slice %arg6[%dma_start3A_42, %dma_start3A_54, %dma_start3A_55] : memref<4x128x128xf32, #tpu.memory_space<vmem>> -> memref<1x128x128xf32, #tpu.memory_space<vmem>>
    %dma_start3A_57 = tpu.memref_squeeze %dma_start3A_56 : memref<1x128x128xf32, #tpu.memory_space<vmem>> -> memref<128x128xf32, #tpu.memory_space<vmem>>
    tpu.enqueue_dma source(%dma_start3A_57 : memref<128x128xf32, #tpu.memory_space<vmem>>) target(%dma_start3A_53 : memref<128x128xf32, #tpu.memory_space<hbm>>) target_semaphore(%dma_start3A_51 : memref<!tpu.dma_semaphore, #tpu.memory_space<semaphore_mem>>)
    %add3A_58 = arith.constant 384 : i32
    %add3A_59 = arith.addi %mul3A_2, %add3A_58 : i32
    %dma_start3A_60 = arith.constant 3 : i32
    %dma_start3A_61 = arith.constant 3 : i32
    %dma_start3A_62 = arith.constant 0 : i32
    %dma_start3A_63 = arith.constant 0 : i32
    %dma_start3A_64 = tpu.memref_slice %arg6[%dma_start3A_60, %dma_start3A_62, %dma_start3A_63] : memref<4x128x128xf32, #tpu.memory_space<vmem>> -> memref<1x128x128xf32, #tpu.memory_space<vmem>>
    %dma_start3A_65 = tpu.memref_squeeze %dma_start3A_64 : memref<1x128x128xf32, #tpu.memory_space<vmem>> -> memref<128x128xf32, #tpu.memory_space<vmem>>
    %dma_start3A_66 = arith.constant 0 : i32
    %dma_start3A_67 = tpu.memref_slice %arg4[%add3A_59, %dma_start3A_66] : memref<262144x128xf32, #tpu.memory_space<hbm>> -> memref<128x128xf32, #tpu.memory_space<hbm>>
    %dma_start3A_68 = tpu.memref_slice %arg8[%dma_start3A_61] : memref<4x!tpu.dma_semaphore, #tpu.memory_space<semaphore_mem>> -> memref<1x!tpu.dma_semaphore, #tpu.memory_space<semaphore_mem>>
    %dma_start3A_69 = tpu.memref_squeeze %dma_start3A_68 : memref<1x!tpu.dma_semaphore, #tpu.memory_space<semaphore_mem>> -> memref<!tpu.dma_semaphore, #tpu.memory_space<semaphore_mem>>
    %dma_start3A_70 = arith.constant 0 : i32
    %dma_start3A_71 = tpu.memref_slice %arg4[%add3A_59, %dma_start3A_70] : memref<262144x128xf32, #tpu.memory_space<hbm>> -> memref<128x128xf32, #tpu.memory_space<hbm>>
    %dma_start3A_72 = arith.constant 0 : i32
    %dma_start3A_73 = arith.constant 0 : i32
    %dma_start3A_74 = tpu.memref_slice %arg6[%dma_start3A_60, %dma_start3A_72, %dma_start3A_73] : memref<4x128x128xf32, #tpu.memory_space<vmem>> -> memref<1x128x128xf32, #tpu.memory_space<vmem>>
    %dma_start3A_75 = tpu.memref_squeeze %dma_start3A_74 : memref<1x128x128xf32, #tpu.memory_space<vmem>> -> memref<128x128xf32, #tpu.memory_space<vmem>>
    tpu.enqueue_dma source(%dma_start3A_75 : memref<128x128xf32, #tpu.memory_space<vmem>>) target(%dma_start3A_71 : memref<128x128xf32, #tpu.memory_space<hbm>>) target_semaphore(%dma_start3A_69 : memref<!tpu.dma_semaphore, #tpu.memory_space<semaphore_mem>>)
    %scan3A = arith.constant 1 : i32
    %scan3A_76 = arith.constant 14 : i32
    %scan3A_77 = arith.addi %scan3A, %scan3A_76 : i32
    %scan3A_78 = arith.constant 1 : i32
    scf.for %scan3A_279 = %scan3A to %scan3A_77 step %scan3A_78  : i32 {
      %mul3A_280 = arith.constant 4 : i32
      %mul3A_281 = arith.muli %scan3A_279, %mul3A_280 : i32
      %add3A_282 = arith.constant 0 : i32
      %add3A_283 = arith.addi %mul3A_281, %add3A_282 : i32
      %dma_wait3A_284 = arith.constant 0 : i32
      %dma_wait3A_285 = arith.constant 0 : i32
      %dma_wait3A_286 = arith.constant 0 : i32
      %dma_wait3A_287 = arith.constant 0 : i32
      %dma_wait3A_288 = tpu.memref_slice %arg6[%dma_wait3A_284, %dma_wait3A_286, %dma_wait3A_287] : memref<4x128x128xf32, #tpu.memory_space<vmem>> -> memref<1x128x128xf32, #tpu.memory_space<vmem>>
      %dma_wait3A_289 = tpu.memref_squeeze %dma_wait3A_288 : memref<1x128x128xf32, #tpu.memory_space<vmem>> -> memref<128x128xf32, #tpu.memory_space<vmem>>
      %dma_wait3A_290 = arith.constant 0 : i32
      %dma_wait3A_291 = tpu.memref_slice %arg4[%mul3A_2, %dma_wait3A_290] : memref<262144x128xf32, #tpu.memory_space<hbm>> -> memref<128x128xf32, #tpu.memory_space<hbm>>
      %dma_wait3A_292 = tpu.memref_slice %arg8[%dma_wait3A_285] : memref<4x!tpu.dma_semaphore, #tpu.memory_space<semaphore_mem>> -> memref<1x!tpu.dma_semaphore, #tpu.memory_space<semaphore_mem>>
      %dma_wait3A_293 = tpu.memref_squeeze %dma_wait3A_292 : memref<1x!tpu.dma_semaphore, #tpu.memory_space<semaphore_mem>> -> memref<!tpu.dma_semaphore, #tpu.memory_space<semaphore_mem>>
      %dma_wait3A_294 = arith.constant 0 : i32
      %dma_wait3A_295 = tpu.memref_slice %arg4[%mul3A_2, %dma_wait3A_294] : memref<262144x128xf32, #tpu.memory_space<hbm>> -> memref<128x128xf32, #tpu.memory_space<hbm>>
      %dma_wait3A_296 = arith.constant 0 : i32
      %dma_wait3A_297 = arith.constant 0 : i32
      %dma_wait3A_298 = tpu.memref_slice %arg6[%dma_wait3A_284, %dma_wait3A_296, %dma_wait3A_297] : memref<4x128x128xf32, #tpu.memory_space<vmem>> -> memref<1x128x128xf32, #tpu.memory_space<vmem>>
      %dma_wait3A_299 = tpu.memref_squeeze %dma_wait3A_298 : memref<1x128x128xf32, #tpu.memory_space<vmem>> -> memref<128x128xf32, #tpu.memory_space<vmem>>
      tpu.wait_dma2 semaphore(%dma_wait3A_293 : memref<!tpu.dma_semaphore, #tpu.memory_space<semaphore_mem>>) src(%dma_wait3A_299 : memref<128x128xf32, #tpu.memory_space<vmem>>) dst(%dma_wait3A_295 : memref<128x128xf32, #tpu.memory_space<hbm>>)
      %mul3A_300 = arith.constant 128 : i32
      %mul3A_301 = arith.muli %add3A_283, %mul3A_300 : i32
      %add3A_302 = arith.addi %mul3A_2, %mul3A_301 : i32
      %dma_start3A_303 = arith.constant 0 : i32
      %dma_start3A_304 = arith.constant 0 : i32
      %dma_start3A_305 = arith.constant 0 : i32
      %dma_start3A_306 = arith.constant 0 : i32
      %dma_start3A_307 = tpu.memref_slice %arg6[%dma_start3A_303, %dma_start3A_305, %dma_start3A_306] : memref<4x128x128xf32, #tpu.memory_space<vmem>> -> memref<1x128x128xf32, #tpu.memory_space<vmem>>
      %dma_start3A_308 = tpu.memref_squeeze %dma_start3A_307 : memref<1x128x128xf32, #tpu.memory_space<vmem>> -> memref<128x128xf32, #tpu.memory_space<vmem>>
      %dma_start3A_309 = arith.constant 0 : i32
      %dma_start3A_310 = tpu.memref_slice %arg4[%add3A_302, %dma_start3A_309] : memref<262144x128xf32, #tpu.memory_space<hbm>> -> memref<128x128xf32, #tpu.memory_space<hbm>>
      %dma_start3A_311 = tpu.memref_slice %arg8[%dma_start3A_304] : memref<4x!tpu.dma_semaphore, #tpu.memory_space<semaphore_mem>> -> memref<1x!tpu.dma_semaphore, #tpu.memory_space<semaphore_mem>>
      %dma_start3A_312 = tpu.memref_squeeze %dma_start3A_311 : memref<1x!tpu.dma_semaphore, #tpu.memory_space<semaphore_mem>> -> memref<!tpu.dma_semaphore, #tpu.memory_space<semaphore_mem>>
      %dma_start3A_313 = arith.constant 0 : i32
      %dma_start3A_314 = tpu.memref_slice %arg4[%add3A_302, %dma_start3A_313] : memref<262144x128xf32, #tpu.memory_space<hbm>> -> memref<128x128xf32, #tpu.memory_space<hbm>>
      %dma_start3A_315 = arith.constant 0 : i32
      %dma_start3A_316 = arith.constant 0 : i32
      %dma_start3A_317 = tpu.memref_slice %arg6[%dma_start3A_303, %dma_start3A_315, %dma_start3A_316] : memref<4x128x128xf32, #tpu.memory_space<vmem>> -> memref<1x128x128xf32, #tpu.memory_space<vmem>>
      %dma_start3A_318 = tpu.memref_squeeze %dma_start3A_317 : memref<1x128x128xf32, #tpu.memory_space<vmem>> -> memref<128x128xf32, #tpu.memory_space<vmem>>
      tpu.enqueue_dma source(%dma_start3A_318 : memref<128x128xf32, #tpu.memory_space<vmem>>) target(%dma_start3A_314 : memref<128x128xf32, #tpu.memory_space<hbm>>) target_semaphore(%dma_start3A_312 : memref<!tpu.dma_semaphore, #tpu.memory_space<semaphore_mem>>)
      %add3A_319 = arith.constant 1 : i32
      %add3A_320 = arith.addi %mul3A_281, %add3A_319 : i32
      %dma_wait3A_321 = arith.constant 1 : i32
      %dma_wait3A_322 = arith.constant 1 : i32
      %dma_wait3A_323 = arith.constant 0 : i32
      %dma_wait3A_324 = arith.constant 0 : i32
      %dma_wait3A_325 = tpu.memref_slice %arg6[%dma_wait3A_321, %dma_wait3A_323, %dma_wait3A_324] : memref<4x128x128xf32, #tpu.memory_space<vmem>> -> memref<1x128x128xf32, #tpu.memory_space<vmem>>
      %dma_wait3A_326 = tpu.memref_squeeze %dma_wait3A_325 : memref<1x128x128xf32, #tpu.memory_space<vmem>> -> memref<128x128xf32, #tpu.memory_space<vmem>>
      %dma_wait3A_327 = arith.constant 0 : i32
      %dma_wait3A_328 = tpu.memref_slice %arg4[%mul3A_2, %dma_wait3A_327] : memref<262144x128xf32, #tpu.memory_space<hbm>> -> memref<128x128xf32, #tpu.memory_space<hbm>>
      %dma_wait3A_329 = tpu.memref_slice %arg8[%dma_wait3A_322] : memref<4x!tpu.dma_semaphore, #tpu.memory_space<semaphore_mem>> -> memref<1x!tpu.dma_semaphore, #tpu.memory_space<semaphore_mem>>
      %dma_wait3A_330 = tpu.memref_squeeze %dma_wait3A_329 : memref<1x!tpu.dma_semaphore, #tpu.memory_space<semaphore_mem>> -> memref<!tpu.dma_semaphore, #tpu.memory_space<semaphore_mem>>
      %dma_wait3A_331 = arith.constant 0 : i32
      %dma_wait3A_332 = tpu.memref_slice %arg4[%mul3A_2, %dma_wait3A_331] : memref<262144x128xf32, #tpu.memory_space<hbm>> -> memref<128x128xf32, #tpu.memory_space<hbm>>
      %dma_wait3A_333 = arith.constant 0 : i32
      %dma_wait3A_334 = arith.constant 0 : i32
      %dma_wait3A_335 = tpu.memref_slice %arg6[%dma_wait3A_321, %dma_wait3A_333, %dma_wait3A_334] : memref<4x128x128xf32, #tpu.memory_space<vmem>> -> memref<1x128x128xf32, #tpu.memory_space<vmem>>
      %dma_wait3A_336 = tpu.memref_squeeze %dma_wait3A_335 : memref<1x128x128xf32, #tpu.memory_space<vmem>> -> memref<128x128xf32, #tpu.memory_space<vmem>>
      tpu.wait_dma2 semaphore(%dma_wait3A_330 : memref<!tpu.dma_semaphore, #tpu.memory_space<semaphore_mem>>) src(%dma_wait3A_336 : memref<128x128xf32, #tpu.memory_space<vmem>>) dst(%dma_wait3A_332 : memref<128x128xf32, #tpu.memory_space<hbm>>)
      %mul3A_337 = arith.constant 128 : i32
      %mul3A_338 = arith.muli %add3A_320, %mul3A_337 : i32
      %add3A_339 = arith.addi %mul3A_2, %mul3A_338 : i32
      %dma_start3A_340 = arith.constant 1 : i32
      %dma_start3A_341 = arith.constant 1 : i32
      %dma_start3A_342 = arith.constant 0 : i32
      %dma_start3A_343 = arith.constant 0 : i32
      %dma_start3A_344 = tpu.memref_slice %arg6[%dma_start3A_340, %dma_start3A_342, %dma_start3A_343] : memref<4x128x128xf32, #tpu.memory_space<vmem>> -> memref<1x128x128xf32, #tpu.memory_space<vmem>>
      %dma_start3A_345 = tpu.memref_squeeze %dma_start3A_344 : memref<1x128x128xf32, #tpu.memory_space<vmem>> -> memref<128x128xf32, #tpu.memory_space<vmem>>
      %dma_start3A_346 = arith.constant 0 : i32
      %dma_start3A_347 = tpu.memref_slice %arg4[%add3A_339, %dma_start3A_346] : memref<262144x128xf32, #tpu.memory_space<hbm>> -> memref<128x128xf32, #tpu.memory_space<hbm>>
      %dma_start3A_348 = tpu.memref_slice %arg8[%dma_start3A_341] : memref<4x!tpu.dma_semaphore, #tpu.memory_space<semaphore_mem>> -> memref<1x!tpu.dma_semaphore, #tpu.memory_space<semaphore_mem>>
      %dma_start3A_349 = tpu.memref_squeeze %dma_start3A_348 : memref<1x!tpu.dma_semaphore, #tpu.memory_space<semaphore_mem>> -> memref<!tpu.dma_semaphore, #tpu.memory_space<semaphore_mem>>
      %dma_start3A_350 = arith.constant 0 : i32
      %dma_start3A_351 = tpu.memref_slice %arg4[%add3A_339, %dma_start3A_350] : memref<262144x128xf32, #tpu.memory_space<hbm>> -> memref<128x128xf32, #tpu.memory_space<hbm>>
      %dma_start3A_352 = arith.constant 0 : i32
      %dma_start3A_353 = arith.constant 0 : i32
      %dma_start3A_354 = tpu.memref_slice %arg6[%dma_start3A_340, %dma_start3A_352, %dma_start3A_353] : memref<4x128x128xf32, #tpu.memory_space<vmem>> -> memref<1x128x128xf32, #tpu.memory_space<vmem>>
      %dma_start3A_355 = tpu.memref_squeeze %dma_start3A_354 : memref<1x128x128xf32, #tpu.memory_space<vmem>> -> memref<128x128xf32, #tpu.memory_space<vmem>>
      tpu.enqueue_dma source(%dma_start3A_355 : memref<128x128xf32, #tpu.memory_space<vmem>>) target(%dma_start3A_351 : memref<128x128xf32, #tpu.memory_space<hbm>>) target_semaphore(%dma_start3A_349 : memref<!tpu.dma_semaphore, #tpu.memory_space<semaphore_mem>>)
      %add3A_356 = arith.constant 2 : i32
      %add3A_357 = arith.addi %mul3A_281, %add3A_356 : i32
      %dma_wait3A_358 = arith.constant 2 : i32
      %dma_wait3A_359 = arith.constant 2 : i32
      %dma_wait3A_360 = arith.constant 0 : i32
      %dma_wait3A_361 = arith.constant 0 : i32
      %dma_wait3A_362 = tpu.memref_slice %arg6[%dma_wait3A_358, %dma_wait3A_360, %dma_wait3A_361] : memref<4x128x128xf32, #tpu.memory_space<vmem>> -> memref<1x128x128xf32, #tpu.memory_space<vmem>>
      %dma_wait3A_363 = tpu.memref_squeeze %dma_wait3A_362 : memref<1x128x128xf32, #tpu.memory_space<vmem>> -> memref<128x128xf32, #tpu.memory_space<vmem>>
      %dma_wait3A_364 = arith.constant 0 : i32
      %dma_wait3A_365 = tpu.memref_slice %arg4[%mul3A_2, %dma_wait3A_364] : memref<262144x128xf32, #tpu.memory_space<hbm>> -> memref<128x128xf32, #tpu.memory_space<hbm>>
      %dma_wait3A_366 = tpu.memref_slice %arg8[%dma_wait3A_359] : memref<4x!tpu.dma_semaphore, #tpu.memory_space<semaphore_mem>> -> memref<1x!tpu.dma_semaphore, #tpu.memory_space<semaphore_mem>>
      %dma_wait3A_367 = tpu.memref_squeeze %dma_wait3A_366 : memref<1x!tpu.dma_semaphore, #tpu.memory_space<semaphore_mem>> -> memref<!tpu.dma_semaphore, #tpu.memory_space<semaphore_mem>>
      %dma_wait3A_368 = arith.constant 0 : i32
      %dma_wait3A_369 = tpu.memref_slice %arg4[%mul3A_2, %dma_wait3A_368] : memref<262144x128xf32, #tpu.memory_space<hbm>> -> memref<128x128xf32, #tpu.memory_space<hbm>>
      %dma_wait3A_370 = arith.constant 0 : i32
      %dma_wait3A_371 = arith.constant 0 : i32
      %dma_wait3A_372 = tpu.memref_slice %arg6[%dma_wait3A_358, %dma_wait3A_370, %dma_wait3A_371] : memref<4x128x128xf32, #tpu.memory_space<vmem>> -> memref<1x128x128xf32, #tpu.memory_space<vmem>>
      %dma_wait3A_373 = tpu.memref_squeeze %dma_wait3A_372 : memref<1x128x128xf32, #tpu.memory_space<vmem>> -> memref<128x128xf32, #tpu.memory_space<vmem>>
      tpu.wait_dma2 semaphore(%dma_wait3A_367 : memref<!tpu.dma_semaphore, #tpu.memory_space<semaphore_mem>>) src(%dma_wait3A_373 : memref<128x128xf32, #tpu.memory_space<vmem>>) dst(%dma_wait3A_369 : memref<128x128xf32, #tpu.memory_space<hbm>>)
      %mul3A_374 = arith.constant 128 : i32
      %mul3A_375 = arith.muli %add3A_357, %mul3A_374 : i32
      %add3A_376 = arith.addi %mul3A_2, %mul3A_375 : i32
      %dma_start3A_377 = arith.constant 2 : i32
      %dma_start3A_378 = arith.constant 2 : i32
      %dma_start3A_379 = arith.constant 0 : i32
      %dma_start3A_380 = arith.constant 0 : i32
      %dma_start3A_381 = tpu.memref_slice %arg6[%dma_start3A_377, %dma_start3A_379, %dma_start3A_380] : memref<4x128x128xf32, #tpu.memory_space<vmem>> -> memref<1x128x128xf32, #tpu.memory_space<vmem>>
      %dma_start3A_382 = tpu.memref_squeeze %dma_start3A_381 : memref<1x128x128xf32, #tpu.memory_space<vmem>> -> memref<128x128xf32, #tpu.memory_space<vmem>>
      %dma_start3A_383 = arith.constant 0 : i32
      %dma_start3A_384 = tpu.memref_slice %arg4[%add3A_376, %dma_start3A_383] : memref<262144x128xf32, #tpu.memory_space<hbm>> -> memref<128x128xf32, #tpu.memory_space<hbm>>
      %dma_start3A_385 = tpu.memref_slice %arg8[%dma_start3A_378] : memref<4x!tpu.dma_semaphore, #tpu.memory_space<semaphore_mem>> -> memref<1x!tpu.dma_semaphore, #tpu.memory_space<semaphore_mem>>
      %dma_start3A_386 = tpu.memref_squeeze %dma_start3A_385 : memref<1x!tpu.dma_semaphore, #tpu.memory_space<semaphore_mem>> -> memref<!tpu.dma_semaphore, #tpu.memory_space<semaphore_mem>>
      %dma_start3A_387 = arith.constant 0 : i32
      %dma_start3A_388 = tpu.memref_slice %arg4[%add3A_376, %dma_start3A_387] : memref<262144x128xf32, #tpu.memory_space<hbm>> -> memref<128x128xf32, #tpu.memory_space<hbm>>
      %dma_start3A_389 = arith.constant 0 : i32
      %dma_start3A_390 = arith.constant 0 : i32
      %dma_start3A_391 = tpu.memref_slice %arg6[%dma_start3A_377, %dma_start3A_389, %dma_start3A_390] : memref<4x128x128xf32, #tpu.memory_space<vmem>> -> memref<1x128x128xf32, #tpu.memory_space<vmem>>
      %dma_start3A_392 = tpu.memref_squeeze %dma_start3A_391 : memref<1x128x128xf32, #tpu.memory_space<vmem>> -> memref<128x128xf32, #tpu.memory_space<vmem>>
      tpu.enqueue_dma source(%dma_start3A_392 : memref<128x128xf32, #tpu.memory_space<vmem>>) target(%dma_start3A_388 : memref<128x128xf32, #tpu.memory_space<hbm>>) target_semaphore(%dma_start3A_386 : memref<!tpu.dma_semaphore, #tpu.memory_space<semaphore_mem>>)
      %add3A_393 = arith.constant 3 : i32
      %add3A_394 = arith.addi %mul3A_281, %add3A_393 : i32
      %dma_wait3A_395 = arith.constant 3 : i32
      %dma_wait3A_396 = arith.constant 3 : i32
      %dma_wait3A_397 = arith.constant 0 : i32
      %dma_wait3A_398 = arith.constant 0 : i32
      %dma_wait3A_399 = tpu.memref_slice %arg6[%dma_wait3A_395, %dma_wait3A_397, %dma_wait3A_398] : memref<4x128x128xf32, #tpu.memory_space<vmem>> -> memref<1x128x128xf32, #tpu.memory_space<vmem>>
      %dma_wait3A_400 = tpu.memref_squeeze %dma_wait3A_399 : memref<1x128x128xf32, #tpu.memory_space<vmem>> -> memref<128x128xf32, #tpu.memory_space<vmem>>
      %dma_wait3A_401 = arith.constant 0 : i32
      %dma_wait3A_402 = tpu.memref_slice %arg4[%mul3A_2, %dma_wait3A_401] : memref<262144x128xf32, #tpu.memory_space<hbm>> -> memref<128x128xf32, #tpu.memory_space<hbm>>
      %dma_wait3A_403 = tpu.memref_slice %arg8[%dma_wait3A_396] : memref<4x!tpu.dma_semaphore, #tpu.memory_space<semaphore_mem>> -> memref<1x!tpu.dma_semaphore, #tpu.memory_space<semaphore_mem>>
      %dma_wait3A_404 = tpu.memref_squeeze %dma_wait3A_403 : memref<1x!tpu.dma_semaphore, #tpu.memory_space<semaphore_mem>> -> memref<!tpu.dma_semaphore, #tpu.memory_space<semaphore_mem>>
      %dma_wait3A_405 = arith.constant 0 : i32
      %dma_wait3A_406 = tpu.memref_slice %arg4[%mul3A_2, %dma_wait3A_405] : memref<262144x128xf32, #tpu.memory_space<hbm>> -> memref<128x128xf32, #tpu.memory_space<hbm>>
      %dma_wait3A_407 = arith.constant 0 : i32
      %dma_wait3A_408 = arith.constant 0 : i32
      %dma_wait3A_409 = tpu.memref_slice %arg6[%dma_wait3A_395, %dma_wait3A_407, %dma_wait3A_408] : memref<4x128x128xf32, #tpu.memory_space<vmem>> -> memref<1x128x128xf32, #tpu.memory_space<vmem>>
      %dma_wait3A_410 = tpu.memref_squeeze %dma_wait3A_409 : memref<1x128x128xf32, #tpu.memory_space<vmem>> -> memref<128x128xf32, #tpu.memory_space<vmem>>
      tpu.wait_dma2 semaphore(%dma_wait3A_404 : memref<!tpu.dma_semaphore, #tpu.memory_space<semaphore_mem>>) src(%dma_wait3A_410 : memref<128x128xf32, #tpu.memory_space<vmem>>) dst(%dma_wait3A_406 : memref<128x128xf32, #tpu.memory_space<hbm>>)
      %mul3A_411 = arith.constant 128 : i32
      %mul3A_412 = arith.muli %add3A_394, %mul3A_411 : i32
      %add3A_413 = arith.addi %mul3A_2, %mul3A_412 : i32
      %dma_start3A_414 = arith.constant 3 : i32
      %dma_start3A_415 = arith.constant 3 : i32
      %dma_start3A_416 = arith.constant 0 : i32
      %dma_start3A_417 = arith.constant 0 : i32
      %dma_start3A_418 = tpu.memref_slice %arg6[%dma_start3A_414, %dma_start3A_416, %dma_start3A_417] : memref<4x128x128xf32, #tpu.memory_space<vmem>> -> memref<1x128x128xf32, #tpu.memory_space<vmem>>
      %dma_start3A_419 = tpu.memref_squeeze %dma_start3A_418 : memref<1x128x128xf32, #tpu.memory_space<vmem>> -> memref<128x128xf32, #tpu.memory_space<vmem>>
      %dma_start3A_420 = arith.constant 0 : i32
      %dma_start3A_421 = tpu.memref_slice %arg4[%add3A_413, %dma_start3A_420] : memref<262144x128xf32, #tpu.memory_space<hbm>> -> memref<128x128xf32, #tpu.memory_space<hbm>>
      %dma_start3A_422 = tpu.memref_slice %arg8[%dma_start3A_415] : memref<4x!tpu.dma_semaphore, #tpu.memory_space<semaphore_mem>> -> memref<1x!tpu.dma_semaphore, #tpu.memory_space<semaphore_mem>>
      %dma_start3A_423 = tpu.memref_squeeze %dma_start3A_422 : memref<1x!tpu.dma_semaphore, #tpu.memory_space<semaphore_mem>> -> memref<!tpu.dma_semaphore, #tpu.memory_space<semaphore_mem>>
      %dma_start3A_424 = arith.constant 0 : i32
      %dma_start3A_425 = tpu.memref_slice %arg4[%add3A_413, %dma_start3A_424] : memref<262144x128xf32, #tpu.memory_space<hbm>> -> memref<128x128xf32, #tpu.memory_space<hbm>>
      %dma_start3A_426 = arith.constant 0 : i32
      %dma_start3A_427 = arith.constant 0 : i32
      %dma_start3A_428 = tpu.memref_slice %arg6[%dma_start3A_414, %dma_start3A_426, %dma_start3A_427] : memref<4x128x128xf32, #tpu.memory_space<vmem>> -> memref<1x128x128xf32, #tpu.memory_space<vmem>>
      %dma_start3A_429 = tpu.memref_squeeze %dma_start3A_428 : memref<1x128x128xf32, #tpu.memory_space<vmem>> -> memref<128x128xf32, #tpu.memory_space<vmem>>
      tpu.enqueue_dma source(%dma_start3A_429 : memref<128x128xf32, #tpu.memory_space<vmem>>) target(%dma_start3A_425 : memref<128x128xf32, #tpu.memory_space<hbm>>) target_semaphore(%dma_start3A_423 : memref<!tpu.dma_semaphore, #tpu.memory_space<semaphore_mem>>)
    }
    %scan3A_79 = arith.constant 14 : i32
    %dma_wait3A = arith.constant 0 : i32
    %dma_wait3A_80 = arith.constant 0 : i32
    %dma_wait3A_81 = arith.constant 0 : i32
    %dma_wait3A_82 = arith.constant 0 : i32
    %dma_wait3A_83 = tpu.memref_slice %arg6[%dma_wait3A, %dma_wait3A_81, %dma_wait3A_82] : memref<4x128x128xf32, #tpu.memory_space<vmem>> -> memref<1x128x128xf32, #tpu.memory_space<vmem>>
    %dma_wait3A_84 = tpu.memref_squeeze %dma_wait3A_83 : memref<1x128x128xf32, #tpu.memory_space<vmem>> -> memref<128x128xf32, #tpu.memory_space<vmem>>
    %dma_wait3A_85 = arith.constant 0 : i32
    %dma_wait3A_86 = tpu.memref_slice %arg4[%mul3A_2, %dma_wait3A_85] : memref<262144x128xf32, #tpu.memory_space<hbm>> -> memref<128x128xf32, #tpu.memory_space<hbm>>
    %dma_wait3A_87 = tpu.memref_slice %arg8[%dma_wait3A_80] : memref<4x!tpu.dma_semaphore, #tpu.memory_space<semaphore_mem>> -> memref<1x!tpu.dma_semaphore, #tpu.memory_space<semaphore_mem>>
    %dma_wait3A_88 = tpu.memref_squeeze %dma_wait3A_87 : memref<1x!tpu.dma_semaphore, #tpu.memory_space<semaphore_mem>> -> memref<!tpu.dma_semaphore, #tpu.memory_space<semaphore_mem>>
    %dma_wait3A_89 = arith.constant 0 : i32
    %dma_wait3A_90 = tpu.memref_slice %arg4[%mul3A_2, %dma_wait3A_89] : memref<262144x128xf32, #tpu.memory_space<hbm>> -> memref<128x128xf32, #tpu.memory_space<hbm>>
    %dma_wait3A_91 = arith.constant 0 : i32
    %dma_wait3A_92 = arith.constant 0 : i32
    %dma_wait3A_93 = tpu.memref_slice %arg6[%dma_wait3A, %dma_wait3A_91, %dma_wait3A_92] : memref<4x128x128xf32, #tpu.memory_space<vmem>> -> memref<1x128x128xf32, #tpu.memory_space<vmem>>
    %dma_wait3A_94 = tpu.memref_squeeze %dma_wait3A_93 : memref<1x128x128xf32, #tpu.memory_space<vmem>> -> memref<128x128xf32, #tpu.memory_space<vmem>>
    tpu.wait_dma2 semaphore(%dma_wait3A_88 : memref<!tpu.dma_semaphore, #tpu.memory_space<semaphore_mem>>) src(%dma_wait3A_94 : memref<128x128xf32, #tpu.memory_space<vmem>>) dst(%dma_wait3A_90 : memref<128x128xf32, #tpu.memory_space<hbm>>)
    %add3A_95 = arith.constant 7680 : i32
    %add3A_96 = arith.addi %mul3A_2, %add3A_95 : i32
    %dma_start3A_97 = arith.constant 0 : i32
    %dma_start3A_98 = arith.constant 0 : i32
    %dma_start3A_99 = arith.constant 0 : i32
    %dma_start3A_100 = arith.constant 0 : i32
    %dma_start3A_101 = tpu.memref_slice %arg6[%dma_start3A_97, %dma_start3A_99, %dma_start3A_100] : memref<4x128x128xf32, #tpu.memory_space<vmem>> -> memref<1x128x128xf32, #tpu.memory_space<vmem>>
    %dma_start3A_102 = tpu.memref_squeeze %dma_start3A_101 : memref<1x128x128xf32, #tpu.memory_space<vmem>> -> memref<128x128xf32, #tpu.memory_space<vmem>>
    %dma_start3A_103 = arith.constant 0 : i32
    %dma_start3A_104 = tpu.memref_slice %arg4[%add3A_96, %dma_start3A_103] : memref<262144x128xf32, #tpu.memory_space<hbm>> -> memref<128x128xf32, #tpu.memory_space<hbm>>
    %dma_start3A_105 = tpu.memref_slice %arg8[%dma_start3A_98] : memref<4x!tpu.dma_semaphore, #tpu.memory_space<semaphore_mem>> -> memref<1x!tpu.dma_semaphore, #tpu.memory_space<semaphore_mem>>
    %dma_start3A_106 = tpu.memref_squeeze %dma_start3A_105 : memref<1x!tpu.dma_semaphore, #tpu.memory_space<semaphore_mem>> -> memref<!tpu.dma_semaphore, #tpu.memory_space<semaphore_mem>>
    %dma_start3A_107 = arith.constant 0 : i32
    %dma_start3A_108 = tpu.memref_slice %arg4[%add3A_96, %dma_start3A_107] : memref<262144x128xf32, #tpu.memory_space<hbm>> -> memref<128x128xf32, #tpu.memory_space<hbm>>
    %dma_start3A_109 = arith.constant 0 : i32
    %dma_start3A_110 = arith.constant 0 : i32
    %dma_start3A_111 = tpu.memref_slice %arg6[%dma_start3A_97, %dma_start3A_109, %dma_start3A_110] : memref<4x128x128xf32, #tpu.memory_space<vmem>> -> memref<1x128x128xf32, #tpu.memory_space<vmem>>
    %dma_start3A_112 = tpu.memref_squeeze %dma_start3A_111 : memref<1x128x128xf32, #tpu.memory_space<vmem>> -> memref<128x128xf32, #tpu.memory_space<vmem>>
    tpu.enqueue_dma source(%dma_start3A_112 : memref<128x128xf32, #tpu.memory_space<vmem>>) target(%dma_start3A_108 : memref<128x128xf32, #tpu.memory_space<hbm>>) target_semaphore(%dma_start3A_106 : memref<!tpu.dma_semaphore, #tpu.memory_space<semaphore_mem>>)
    %dma_wait3A_113 = arith.constant 1 : i32
    %dma_wait3A_114 = arith.constant 1 : i32
    %dma_wait3A_115 = arith.constant 0 : i32
    %dma_wait3A_116 = arith.constant 0 : i32
    %dma_wait3A_117 = tpu.memref_slice %arg6[%dma_wait3A_113, %dma_wait3A_115, %dma_wait3A_116] : memref<4x128x128xf32, #tpu.memory_space<vmem>> -> memref<1x128x128xf32, #tpu.memory_space<vmem>>
    %dma_wait3A_118 = tpu.memref_squeeze %dma_wait3A_117 : memref<1x128x128xf32, #tpu.memory_space<vmem>> -> memref<128x128xf32, #tpu.memory_space<vmem>>
    %dma_wait3A_119 = arith.constant 0 : i32
    %dma_wait3A_120 = tpu.memref_slice %arg4[%mul3A_2, %dma_wait3A_119] : memref<262144x128xf32, #tpu.memory_space<hbm>> -> memref<128x128xf32, #tpu.memory_space<hbm>>
    %dma_wait3A_121 = tpu.memref_slice %arg8[%dma_wait3A_114] : memref<4x!tpu.dma_semaphore, #tpu.memory_space<semaphore_mem>> -> memref<1x!tpu.dma_semaphore, #tpu.memory_space<semaphore_mem>>
    %dma_wait3A_122 = tpu.memref_squeeze %dma_wait3A_121 : memref<1x!tpu.dma_semaphore, #tpu.memory_space<semaphore_mem>> -> memref<!tpu.dma_semaphore, #tpu.memory_space<semaphore_mem>>
    %dma_wait3A_123 = arith.constant 0 : i32
    %dma_wait3A_124 = tpu.memref_slice %arg4[%mul3A_2, %dma_wait3A_123] : memref<262144x128xf32, #tpu.memory_space<hbm>> -> memref<128x128xf32, #tpu.memory_space<hbm>>
    %dma_wait3A_125 = arith.constant 0 : i32
    %dma_wait3A_126 = arith.constant 0 : i32
    %dma_wait3A_127 = tpu.memref_slice %arg6[%dma_wait3A_113, %dma_wait3A_125, %dma_wait3A_126] : memref<4x128x128xf32, #tpu.memory_space<vmem>> -> memref<1x128x128xf32, #tpu.memory_space<vmem>>
    %dma_wait3A_128 = tpu.memref_squeeze %dma_wait3A_127 : memref<1x128x128xf32, #tpu.memory_space<vmem>> -> memref<128x128xf32, #tpu.memory_space<vmem>>
    tpu.wait_dma2 semaphore(%dma_wait3A_122 : memref<!tpu.dma_semaphore, #tpu.memory_space<semaphore_mem>>) src(%dma_wait3A_128 : memref<128x128xf32, #tpu.memory_space<vmem>>) dst(%dma_wait3A_124 : memref<128x128xf32, #tpu.memory_space<hbm>>)
    %add3A_129 = arith.constant 7808 : i32
    %add3A_130 = arith.addi %mul3A_2, %add3A_129 : i32
    %dma_start3A_131 = arith.constant 1 : i32
    %dma_start3A_132 = arith.constant 1 : i32
    %dma_start3A_133 = arith.constant 0 : i32
    %dma_start3A_134 = arith.constant 0 : i32
    %dma_start3A_135 = tpu.memref_slice %arg6[%dma_start3A_131, %dma_start3A_133, %dma_start3A_134] : memref<4x128x128xf32, #tpu.memory_space<vmem>> -> memref<1x128x128xf32, #tpu.memory_space<vmem>>
    %dma_start3A_136 = tpu.memref_squeeze %dma_start3A_135 : memref<1x128x128xf32, #tpu.memory_space<vmem>> -> memref<128x128xf32, #tpu.memory_space<vmem>>
    %dma_start3A_137 = arith.constant 0 : i32
    %dma_start3A_138 = tpu.memref_slice %arg4[%add3A_130, %dma_start3A_137] : memref<262144x128xf32, #tpu.memory_space<hbm>> -> memref<128x128xf32, #tpu.memory_space<hbm>>
    %dma_start3A_139 = tpu.memref_slice %arg8[%dma_start3A_132] : memref<4x!tpu.dma_semaphore, #tpu.memory_space<semaphore_mem>> -> memref<1x!tpu.dma_semaphore, #tpu.memory_space<semaphore_mem>>
    %dma_start3A_140 = tpu.memref_squeeze %dma_start3A_139 : memref<1x!tpu.dma_semaphore, #tpu.memory_space<semaphore_mem>> -> memref<!tpu.dma_semaphore, #tpu.memory_space<semaphore_mem>>
    %dma_start3A_141 = arith.constant 0 : i32
    %dma_start3A_142 = tpu.memref_slice %arg4[%add3A_130, %dma_start3A_141] : memref<262144x128xf32, #tpu.memory_space<hbm>> -> memref<128x128xf32, #tpu.memory_space<hbm>>
    %dma_start3A_143 = arith.constant 0 : i32
    %dma_start3A_144 = arith.constant 0 : i32
    %dma_start3A_145 = tpu.memref_slice %arg6[%dma_start3A_131, %dma_start3A_143, %dma_start3A_144] : memref<4x128x128xf32, #tpu.memory_space<vmem>> -> memref<1x128x128xf32, #tpu.memory_space<vmem>>
    %dma_start3A_146 = tpu.memref_squeeze %dma_start3A_145 : memref<1x128x128xf32, #tpu.memory_space<vmem>> -> memref<128x128xf32, #tpu.memory_space<vmem>>
    tpu.enqueue_dma source(%dma_start3A_146 : memref<128x128xf32, #tpu.memory_space<vmem>>) target(%dma_start3A_142 : memref<128x128xf32, #tpu.memory_space<hbm>>) target_semaphore(%dma_start3A_140 : memref<!tpu.dma_semaphore, #tpu.memory_space<semaphore_mem>>)
    %dma_wait3A_147 = arith.constant 2 : i32
    %dma_wait3A_148 = arith.constant 2 : i32
    %dma_wait3A_149 = arith.constant 0 : i32
    %dma_wait3A_150 = arith.constant 0 : i32
    %dma_wait3A_151 = tpu.memref_slice %arg6[%dma_wait3A_147, %dma_wait3A_149, %dma_wait3A_150] : memref<4x128x128xf32, #tpu.memory_space<vmem>> -> memref<1x128x128xf32, #tpu.memory_space<vmem>>
    %dma_wait3A_152 = tpu.memref_squeeze %dma_wait3A_151 : memref<1x128x128xf32, #tpu.memory_space<vmem>> -> memref<128x128xf32, #tpu.memory_space<vmem>>
    %dma_wait3A_153 = arith.constant 0 : i32
    %dma_wait3A_154 = tpu.memref_slice %arg4[%mul3A_2, %dma_wait3A_153] : memref<262144x128xf32, #tpu.memory_space<hbm>> -> memref<128x128xf32, #tpu.memory_space<hbm>>
    %dma_wait3A_155 = tpu.memref_slice %arg8[%dma_wait3A_148] : memref<4x!tpu.dma_semaphore, #tpu.memory_space<semaphore_mem>> -> memref<1x!tpu.dma_semaphore, #tpu.memory_space<semaphore_mem>>
    %dma_wait3A_156 = tpu.memref_squeeze %dma_wait3A_155 : memref<1x!tpu.dma_semaphore, #tpu.memory_space<semaphore_mem>> -> memref<!tpu.dma_semaphore, #tpu.memory_space<semaphore_mem>>
    %dma_wait3A_157 = arith.constant 0 : i32
    %dma_wait3A_158 = tpu.memref_slice %arg4[%mul3A_2, %dma_wait3A_157] : memref<262144x128xf32, #tpu.memory_space<hbm>> -> memref<128x128xf32, #tpu.memory_space<hbm>>
    %dma_wait3A_159 = arith.constant 0 : i32
    %dma_wait3A_160 = arith.constant 0 : i32
    %dma_wait3A_161 = tpu.memref_slice %arg6[%dma_wait3A_147, %dma_wait3A_159, %dma_wait3A_160] : memref<4x128x128xf32, #tpu.memory_space<vmem>> -> memref<1x128x128xf32, #tpu.memory_space<vmem>>
    %dma_wait3A_162 = tpu.memref_squeeze %dma_wait3A_161 : memref<1x128x128xf32, #tpu.memory_space<vmem>> -> memref<128x128xf32, #tpu.memory_space<vmem>>
    tpu.wait_dma2 semaphore(%dma_wait3A_156 : memref<!tpu.dma_semaphore, #tpu.memory_space<semaphore_mem>>) src(%dma_wait3A_162 : memref<128x128xf32, #tpu.memory_space<vmem>>) dst(%dma_wait3A_158 : memref<128x128xf32, #tpu.memory_space<hbm>>)
    %add3A_163 = arith.constant 7936 : i32
    %add3A_164 = arith.addi %mul3A_2, %add3A_163 : i32
    %dma_start3A_165 = arith.constant 2 : i32
    %dma_start3A_166 = arith.constant 2 : i32
    %dma_start3A_167 = arith.constant 0 : i32
    %dma_start3A_168 = arith.constant 0 : i32
    %dma_start3A_169 = tpu.memref_slice %arg6[%dma_start3A_165, %dma_start3A_167, %dma_start3A_168] : memref<4x128x128xf32, #tpu.memory_space<vmem>> -> memref<1x128x128xf32, #tpu.memory_space<vmem>>
    %dma_start3A_170 = tpu.memref_squeeze %dma_start3A_169 : memref<1x128x128xf32, #tpu.memory_space<vmem>> -> memref<128x128xf32, #tpu.memory_space<vmem>>
    %dma_start3A_171 = arith.constant 0 : i32
    %dma_start3A_172 = tpu.memref_slice %arg4[%add3A_164, %dma_start3A_171] : memref<262144x128xf32, #tpu.memory_space<hbm>> -> memref<128x128xf32, #tpu.memory_space<hbm>>
    %dma_start3A_173 = tpu.memref_slice %arg8[%dma_start3A_166] : memref<4x!tpu.dma_semaphore, #tpu.memory_space<semaphore_mem>> -> memref<1x!tpu.dma_semaphore, #tpu.memory_space<semaphore_mem>>
    %dma_start3A_174 = tpu.memref_squeeze %dma_start3A_173 : memref<1x!tpu.dma_semaphore, #tpu.memory_space<semaphore_mem>> -> memref<!tpu.dma_semaphore, #tpu.memory_space<semaphore_mem>>
    %dma_start3A_175 = arith.constant 0 : i32
    %dma_start3A_176 = tpu.memref_slice %arg4[%add3A_164, %dma_start3A_175] : memref<262144x128xf32, #tpu.memory_space<hbm>> -> memref<128x128xf32, #tpu.memory_space<hbm>>
    %dma_start3A_177 = arith.constant 0 : i32
    %dma_start3A_178 = arith.constant 0 : i32
    %dma_start3A_179 = tpu.memref_slice %arg6[%dma_start3A_165, %dma_start3A_177, %dma_start3A_178] : memref<4x128x128xf32, #tpu.memory_space<vmem>> -> memref<1x128x128xf32, #tpu.memory_space<vmem>>
    %dma_start3A_180 = tpu.memref_squeeze %dma_start3A_179 : memref<1x128x128xf32, #tpu.memory_space<vmem>> -> memref<128x128xf32, #tpu.memory_space<vmem>>
    tpu.enqueue_dma source(%dma_start3A_180 : memref<128x128xf32, #tpu.memory_space<vmem>>) target(%dma_start3A_176 : memref<128x128xf32, #tpu.memory_space<hbm>>) target_semaphore(%dma_start3A_174 : memref<!tpu.dma_semaphore, #tpu.memory_space<semaphore_mem>>)
    %dma_wait3A_181 = arith.constant 3 : i32
    %dma_wait3A_182 = arith.constant 3 : i32
    %dma_wait3A_183 = arith.constant 0 : i32
    %dma_wait3A_184 = arith.constant 0 : i32
    %dma_wait3A_185 = tpu.memref_slice %arg6[%dma_wait3A_181, %dma_wait3A_183, %dma_wait3A_184] : memref<4x128x128xf32, #tpu.memory_space<vmem>> -> memref<1x128x128xf32, #tpu.memory_space<vmem>>
    %dma_wait3A_186 = tpu.memref_squeeze %dma_wait3A_185 : memref<1x128x128xf32, #tpu.memory_space<vmem>> -> memref<128x128xf32, #tpu.memory_space<vmem>>
    %dma_wait3A_187 = arith.constant 0 : i32
    %dma_wait3A_188 = tpu.memref_slice %arg4[%mul3A_2, %dma_wait3A_187] : memref<262144x128xf32, #tpu.memory_space<hbm>> -> memref<128x128xf32, #tpu.memory_space<hbm>>
    %dma_wait3A_189 = tpu.memref_slice %arg8[%dma_wait3A_182] : memref<4x!tpu.dma_semaphore, #tpu.memory_space<semaphore_mem>> -> memref<1x!tpu.dma_semaphore, #tpu.memory_space<semaphore_mem>>
    %dma_wait3A_190 = tpu.memref_squeeze %dma_wait3A_189 : memref<1x!tpu.dma_semaphore, #tpu.memory_space<semaphore_mem>> -> memref<!tpu.dma_semaphore, #tpu.memory_space<semaphore_mem>>
    %dma_wait3A_191 = arith.constant 0 : i32
    %dma_wait3A_192 = tpu.memref_slice %arg4[%mul3A_2, %dma_wait3A_191] : memref<262144x128xf32, #tpu.memory_space<hbm>> -> memref<128x128xf32, #tpu.memory_space<hbm>>
    %dma_wait3A_193 = arith.constant 0 : i32
    %dma_wait3A_194 = arith.constant 0 : i32
    %dma_wait3A_195 = tpu.memref_slice %arg6[%dma_wait3A_181, %dma_wait3A_193, %dma_wait3A_194] : memref<4x128x128xf32, #tpu.memory_space<vmem>> -> memref<1x128x128xf32, #tpu.memory_space<vmem>>
    %dma_wait3A_196 = tpu.memref_squeeze %dma_wait3A_195 : memref<1x128x128xf32, #tpu.memory_space<vmem>> -> memref<128x128xf32, #tpu.memory_space<vmem>>
    tpu.wait_dma2 semaphore(%dma_wait3A_190 : memref<!tpu.dma_semaphore, #tpu.memory_space<semaphore_mem>>) src(%dma_wait3A_196 : memref<128x128xf32, #tpu.memory_space<vmem>>) dst(%dma_wait3A_192 : memref<128x128xf32, #tpu.memory_space<hbm>>)
    %add3A_197 = arith.constant 8064 : i32
    %add3A_198 = arith.addi %mul3A_2, %add3A_197 : i32
    %dma_start3A_199 = arith.constant 3 : i32
    %dma_start3A_200 = arith.constant 3 : i32
    %dma_start3A_201 = arith.constant 0 : i32
    %dma_start3A_202 = arith.constant 0 : i32
    %dma_start3A_203 = tpu.memref_slice %arg6[%dma_start3A_199, %dma_start3A_201, %dma_start3A_202] : memref<4x128x128xf32, #tpu.memory_space<vmem>> -> memref<1x128x128xf32, #tpu.memory_space<vmem>>
    %dma_start3A_204 = tpu.memref_squeeze %dma_start3A_203 : memref<1x128x128xf32, #tpu.memory_space<vmem>> -> memref<128x128xf32, #tpu.memory_space<vmem>>
    %dma_start3A_205 = arith.constant 0 : i32
    %dma_start3A_206 = tpu.memref_slice %arg4[%add3A_198, %dma_start3A_205] : memref<262144x128xf32, #tpu.memory_space<hbm>> -> memref<128x128xf32, #tpu.memory_space<hbm>>
    %dma_start3A_207 = tpu.memref_slice %arg8[%dma_start3A_200] : memref<4x!tpu.dma_semaphore, #tpu.memory_space<semaphore_mem>> -> memref<1x!tpu.dma_semaphore, #tpu.memory_space<semaphore_mem>>
    %dma_start3A_208 = tpu.memref_squeeze %dma_start3A_207 : memref<1x!tpu.dma_semaphore, #tpu.memory_space<semaphore_mem>> -> memref<!tpu.dma_semaphore, #tpu.memory_space<semaphore_mem>>
    %dma_start3A_209 = arith.constant 0 : i32
    %dma_start3A_210 = tpu.memref_slice %arg4[%add3A_198, %dma_start3A_209] : memref<262144x128xf32, #tpu.memory_space<hbm>> -> memref<128x128xf32, #tpu.memory_space<hbm>>
    %dma_start3A_211 = arith.constant 0 : i32
    %dma_start3A_212 = arith.constant 0 : i32
    %dma_start3A_213 = tpu.memref_slice %arg6[%dma_start3A_199, %dma_start3A_211, %dma_start3A_212] : memref<4x128x128xf32, #tpu.memory_space<vmem>> -> memref<1x128x128xf32, #tpu.memory_space<vmem>>
    %dma_start3A_214 = tpu.memref_squeeze %dma_start3A_213 : memref<1x128x128xf32, #tpu.memory_space<vmem>> -> memref<128x128xf32, #tpu.memory_space<vmem>>
    tpu.enqueue_dma source(%dma_start3A_214 : memref<128x128xf32, #tpu.memory_space<vmem>>) target(%dma_start3A_210 : memref<128x128xf32, #tpu.memory_space<hbm>>) target_semaphore(%dma_start3A_208 : memref<!tpu.dma_semaphore, #tpu.memory_space<semaphore_mem>>)
    %dma_wait3A_215 = arith.constant 0 : i32
    %dma_wait3A_216 = arith.constant 0 : i32
    %dma_wait3A_217 = arith.constant 0 : i32
    %dma_wait3A_218 = arith.constant 0 : i32
    %dma_wait3A_219 = tpu.memref_slice %arg6[%dma_wait3A_215, %dma_wait3A_217, %dma_wait3A_218] : memref<4x128x128xf32, #tpu.memory_space<vmem>> -> memref<1x128x128xf32, #tpu.memory_space<vmem>>
    %dma_wait3A_220 = tpu.memref_squeeze %dma_wait3A_219 : memref<1x128x128xf32, #tpu.memory_space<vmem>> -> memref<128x128xf32, #tpu.memory_space<vmem>>
    %dma_wait3A_221 = arith.constant 0 : i32
    %dma_wait3A_222 = tpu.memref_slice %arg4[%mul3A_2, %dma_wait3A_221] : memref<262144x128xf32, #tpu.memory_space<hbm>> -> memref<128x128xf32, #tpu.memory_space<hbm>>
    %dma_wait3A_223 = tpu.memref_slice %arg8[%dma_wait3A_216] : memref<4x!tpu.dma_semaphore, #tpu.memory_space<semaphore_mem>> -> memref<1x!tpu.dma_semaphore, #tpu.memory_space<semaphore_mem>>
    %dma_wait3A_224 = tpu.memref_squeeze %dma_wait3A_223 : memref<1x!tpu.dma_semaphore, #tpu.memory_space<semaphore_mem>> -> memref<!tpu.dma_semaphore, #tpu.memory_space<semaphore_mem>>
    %dma_wait3A_225 = arith.constant 0 : i32
    %dma_wait3A_226 = tpu.memref_slice %arg4[%mul3A_2, %dma_wait3A_225] : memref<262144x128xf32, #tpu.memory_space<hbm>> -> memref<128x128xf32, #tpu.memory_space<hbm>>
    %dma_wait3A_227 = arith.constant 0 : i32
    %dma_wait3A_228 = arith.constant 0 : i32
    %dma_wait3A_229 = tpu.memref_slice %arg6[%dma_wait3A_215, %dma_wait3A_227, %dma_wait3A_228] : memref<4x128x128xf32, #tpu.memory_space<vmem>> -> memref<1x128x128xf32, #tpu.memory_space<vmem>>
    %dma_wait3A_230 = tpu.memref_squeeze %dma_wait3A_229 : memref<1x128x128xf32, #tpu.memory_space<vmem>> -> memref<128x128xf32, #tpu.memory_space<vmem>>
    tpu.wait_dma2 semaphore(%dma_wait3A_224 : memref<!tpu.dma_semaphore, #tpu.memory_space<semaphore_mem>>) src(%dma_wait3A_230 : memref<128x128xf32, #tpu.memory_space<vmem>>) dst(%dma_wait3A_226 : memref<128x128xf32, #tpu.memory_space<hbm>>)
    %dma_wait3A_231 = arith.constant 1 : i32
    %dma_wait3A_232 = arith.constant 1 : i32
    %dma_wait3A_233 = arith.constant 0 : i32
    %dma_wait3A_234 = arith.constant 0 : i32
    %dma_wait3A_235 = tpu.memref_slice %arg6[%dma_wait3A_231, %dma_wait3A_233, %dma_wait3A_234] : memref<4x128x128xf32, #tpu.memory_space<vmem>> -> memref<1x128x128xf32, #tpu.memory_space<vmem>>
    %dma_wait3A_236 = tpu.memref_squeeze %dma_wait3A_235 : memref<1x128x128xf32, #tpu.memory_space<vmem>> -> memref<128x128xf32, #tpu.memory_space<vmem>>
    %dma_wait3A_237 = arith.constant 0 : i32
    %dma_wait3A_238 = tpu.memref_slice %arg4[%mul3A_2, %dma_wait3A_237] : memref<262144x128xf32, #tpu.memory_space<hbm>> -> memref<128x128xf32, #tpu.memory_space<hbm>>
    %dma_wait3A_239 = tpu.memref_slice %arg8[%dma_wait3A_232] : memref<4x!tpu.dma_semaphore, #tpu.memory_space<semaphore_mem>> -> memref<1x!tpu.dma_semaphore, #tpu.memory_space<semaphore_mem>>
    %dma_wait3A_240 = tpu.memref_squeeze %dma_wait3A_239 : memref<1x!tpu.dma_semaphore, #tpu.memory_space<semaphore_mem>> -> memref<!tpu.dma_semaphore, #tpu.memory_space<semaphore_mem>>
    %dma_wait3A_241 = arith.constant 0 : i32
    %dma_wait3A_242 = tpu.memref_slice %arg4[%mul3A_2, %dma_wait3A_241] : memref<262144x128xf32, #tpu.memory_space<hbm>> -> memref<128x128xf32, #tpu.memory_space<hbm>>
    %dma_wait3A_243 = arith.constant 0 : i32
    %dma_wait3A_244 = arith.constant 0 : i32
    %dma_wait3A_245 = tpu.memref_slice %arg6[%dma_wait3A_231, %dma_wait3A_243, %dma_wait3A_244] : memref<4x128x128xf32, #tpu.memory_space<vmem>> -> memref<1x128x128xf32, #tpu.memory_space<vmem>>
    %dma_wait3A_246 = tpu.memref_squeeze %dma_wait3A_245 : memref<1x128x128xf32, #tpu.memory_space<vmem>> -> memref<128x128xf32, #tpu.memory_space<vmem>>
    tpu.wait_dma2 semaphore(%dma_wait3A_240 : memref<!tpu.dma_semaphore, #tpu.memory_space<semaphore_mem>>) src(%dma_wait3A_246 : memref<128x128xf32, #tpu.memory_space<vmem>>) dst(%dma_wait3A_242 : memref<128x128xf32, #tpu.memory_space<hbm>>)
    %dma_wait3A_247 = arith.constant 2 : i32
    %dma_wait3A_248 = arith.constant 2 : i32
    %dma_wait3A_249 = arith.constant 0 : i32
    %dma_wait3A_250 = arith.constant 0 : i32
    %dma_wait3A_251 = tpu.memref_slice %arg6[%dma_wait3A_247, %dma_wait3A_249, %dma_wait3A_250] : memref<4x128x128xf32, #tpu.memory_space<vmem>> -> memref<1x128x128xf32, #tpu.memory_space<vmem>>
    %dma_wait3A_252 = tpu.memref_squeeze %dma_wait3A_251 : memref<1x128x128xf32, #tpu.memory_space<vmem>> -> memref<128x128xf32, #tpu.memory_space<vmem>>
    %dma_wait3A_253 = arith.constant 0 : i32
    %dma_wait3A_254 = tpu.memref_slice %arg4[%mul3A_2, %dma_wait3A_253] : memref<262144x128xf32, #tpu.memory_space<hbm>> -> memref<128x128xf32, #tpu.memory_space<hbm>>
    %dma_wait3A_255 = tpu.memref_slice %arg8[%dma_wait3A_248] : memref<4x!tpu.dma_semaphore, #tpu.memory_space<semaphore_mem>> -> memref<1x!tpu.dma_semaphore, #tpu.memory_space<semaphore_mem>>
    %dma_wait3A_256 = tpu.memref_squeeze %dma_wait3A_255 : memref<1x!tpu.dma_semaphore, #tpu.memory_space<semaphore_mem>> -> memref<!tpu.dma_semaphore, #tpu.memory_space<semaphore_mem>>
    %dma_wait3A_257 = arith.constant 0 : i32
    %dma_wait3A_258 = tpu.memref_slice %arg4[%mul3A_2, %dma_wait3A_257] : memref<262144x128xf32, #tpu.memory_space<hbm>> -> memref<128x128xf32, #tpu.memory_space<hbm>>
    %dma_wait3A_259 = arith.constant 0 : i32
    %dma_wait3A_260 = arith.constant 0 : i32
    %dma_wait3A_261 = tpu.memref_slice %arg6[%dma_wait3A_247, %dma_wait3A_259, %dma_wait3A_260] : memref<4x128x128xf32, #tpu.memory_space<vmem>> -> memref<1x128x128xf32, #tpu.memory_space<vmem>>
    %dma_wait3A_262 = tpu.memref_squeeze %dma_wait3A_261 : memref<1x128x128xf32, #tpu.memory_space<vmem>> -> memref<128x128xf32, #tpu.memory_space<vmem>>
    tpu.wait_dma2 semaphore(%dma_wait3A_256 : memref<!tpu.dma_semaphore, #tpu.memory_space<semaphore_mem>>) src(%dma_wait3A_262 : memref<128x128xf32, #tpu.memory_space<vmem>>) dst(%dma_wait3A_258 : memref<128x128xf32, #tpu.memory_space<hbm>>)
    %dma_wait3A_263 = arith.constant 3 : i32
    %dma_wait3A_264 = arith.constant 3 : i32
    %dma_wait3A_265 = arith.constant 0 : i32
    %dma_wait3A_266 = arith.constant 0 : i32
    %dma_wait3A_267 = tpu.memref_slice %arg6[%dma_wait3A_263, %dma_wait3A_265, %dma_wait3A_266] : memref<4x128x128xf32, #tpu.memory_space<vmem>> -> memref<1x128x128xf32, #tpu.memory_space<vmem>>
    %dma_wait3A_268 = tpu.memref_squeeze %dma_wait3A_267 : memref<1x128x128xf32, #tpu.memory_space<vmem>> -> memref<128x128xf32, #tpu.memory_space<vmem>>
    %dma_wait3A_269 = arith.constant 0 : i32
    %dma_wait3A_270 = tpu.memref_slice %arg4[%mul3A_2, %dma_wait3A_269] : memref<262144x128xf32, #tpu.memory_space<hbm>> -> memref<128x128xf32, #tpu.memory_space<hbm>>
    %dma_wait3A_271 = tpu.memref_slice %arg8[%dma_wait3A_264] : memref<4x!tpu.dma_semaphore, #tpu.memory_space<semaphore_mem>> -> memref<1x!tpu.dma_semaphore, #tpu.memory_space<semaphore_mem>>
    %dma_wait3A_272 = tpu.memref_squeeze %dma_wait3A_271 : memref<1x!tpu.dma_semaphore, #tpu.memory_space<semaphore_mem>> -> memref<!tpu.dma_semaphore, #tpu.memory_space<semaphore_mem>>
    %dma_wait3A_273 = arith.constant 0 : i32
    %dma_wait3A_274 = tpu.memref_slice %arg4[%mul3A_2, %dma_wait3A_273] : memref<262144x128xf32, #tpu.memory_space<hbm>> -> memref<128x128xf32, #tpu.memory_space<hbm>>
    %dma_wait3A_275 = arith.constant 0 : i32
    %dma_wait3A_276 = arith.constant 0 : i32
    %dma_wait3A_277 = tpu.memref_slice %arg6[%dma_wait3A_263, %dma_wait3A_275, %dma_wait3A_276] : memref<4x128x128xf32, #tpu.memory_space<vmem>> -> memref<1x128x128xf32, #tpu.memory_space<vmem>>
    %dma_wait3A_278 = tpu.memref_squeeze %dma_wait3A_277 : memref<1x128x128xf32, #tpu.memory_space<vmem>> -> memref<128x128xf32, #tpu.memory_space<vmem>>
    tpu.wait_dma2 semaphore(%dma_wait3A_272 : memref<!tpu.dma_semaphore, #tpu.memory_space<semaphore_mem>>) src(%dma_wait3A_278 : memref<128x128xf32, #tpu.memory_space<vmem>>) dst(%dma_wait3A_274 : memref<128x128xf32, #tpu.memory_space<hbm>>)
    return
  }
}

</mosaic_0001>

<sc_bundles>
// kernel: kernel.3.cloned.1.call-start
scs
__scs_entry_jumppad:
0x0: {  	(pc) =	sbr.rel $0x88, $3  }
0x1: {  	(tag) =	ssettag $0x0;
	lr =	simm.s32 $0x1  }
0x2: {  	[smem:$0x3F9F] =	sst lr;
	_ =	strace $0xD0000000  }
0x3: {  	_ = 	snop  }
0x4: {  	_ = 	snop  }
0x5: {  	_ = 	snop  }
0x6: {  	_ = 	snop  }
0x7: {  	_ = 	snop  }
__scs_overlays_trampoline_lowered:
0x8: {  	[smem:$0x3FAE] =	sst s0  }
0x9: {  	[smem:$0x3FAF] =	sst s1  }
0xa: {  	[smem:$0x3FB0] =	sst s2  }
0xb: {  	[smem:$0x3FB1] =	sst s3  }
0xc: {  	[smem:$0x3FB2] =	sst s4  }
0xd: {  	[smem:$0x3FB3] =	sst s5  }
0xe: {  	[smem:$0x3FB4] =	sst s6  }
0xf: {  	[smem:$0x3FB5] =	sst s7  }
0x10: {  	[smem:$0x3FB6] =	sst s8  }
0x11: {  	[smem:$0x3FB7] =	sst s9;
	s0 =	simm.s32 @!p0 $0x0  }
0x12: {  	s1 =	sld [smem:$0x3F9D];
	s0 =	simm.s32 @p0 $0x1  }
0x13: {  	[smem:$0x3FB8] =	sst s0;
	s0 =	simm.s32 @!p1 $0x0  }
0x14: {  	s2 =	sld [smem:$0x3F9C];
	s0 =	simm.s32 @p1 $0x1  }
0x15: {  	[smem:$0x3FB9] =	sst s0;
	s0 =	simm.s32 @!p2 $0x0  }
0x16: {  	s3 =	sld [smem:$0x3FDB];
	s0 =	simm.s32 @p2 $0x1  }
0x17: {  	s4 =	simm.s32 $0x1BF5;
	[smem:$0x3FBB] =	sst s0  }
0x18: {  	s0 =	sld [smem:$0x3F9E];
	_ =	swait.ge [sflag:s4], $0x0  }
0x19: {  	s7 =	sld [smem:$0x3F9F]  }
0x1a: {  	s8 =	sadd.s32 $0xFFFFE003, lr  }
0x1b: {  	s9 =	sadd.s32 $0xFFFFFEF7, lr;
	s5 =	simm.s32 $0xFFFFFFFF;
	p2 =	slt.u32 s8, $0xFFFFF086  }
0x1c: {  	p1 =	slt.u32 s9, $0xF7A;
	s5 =	simm.s32 @!p2 $0x0  }
0x1d: {  	s5 =	simm.s32 @p1 $0x1;
	p0 =	seq.s32 s7, s2  }
0x1e: {  	s7 =	smul.u32 @!p0 $0xF7A, s2;
	p2 =	seq.s32 @!p0 s5, $0x0  }
0x1f: {  	s9 =	smul.u32 $0xF7A, s1;
	s8 =	simm.s32 @!p0 $0x1BF5;
	p2 =	por !p2, p0  }
0x20: {  	[sflag:s8] =	ssyncset.s32 @!p0 $0xFFFFF086;
	s6 =	sadd.s32 @!p0 s3, s7;
	s7 =	simm.s32 @!p0 $0x108  }
0x21: {  	s3 =	sadd.s32 s3, s9;
	s6 =	sadd.s32 @!p0 $0x88, s6;
	s7 =	simm.s32 @p2 $0x1082  }
0x22: {  	[simem:s7], [sflag:s8] =	dma.local @!p0 [hbm:s6], $0xF7A  }
0x23: {  	s9 =	sor.u32 $0xD0000000, s2;
	s6 =	simm.s32 $0x108;
	_ =	swait.ge @!p0 [sflag:s8], $0x0  }
0x24: {  	s3 =	sadd.s32 $0x88, s3;
	s6 =	simm.s32 @!p1 $0x1082;
	[sflag:s4] =	ssyncset.s32 $0xFFFFF086  }
0x25: {  	[simem:s6], [sflag:s4] =	dma.local [hbm:s3], $0xF7A  }
0x26: {  	[smem:$0x3F9F] =	sst s1;
	(tag) =	ssettag s2;
	_ =	strace s9  }
0x27: {  	s1 =	sld [smem:$0x3FAF]  }
0x28: {  	s2 =	sld [smem:$0x3FB0]  }
0x29: {  	s4 =	sld [smem:$0x3FB2]  }
0x2a: {  	p0 =	seq.s32 s5, $0x0;
	s5 =	sld [smem:$0x3FB3]  }
0x2b: {  	s6 =	sld [smem:$0x3FB4]  }
0x2c: {  	s7 =	sld [smem:$0x3FB5]  }
0x2d: {  	s3 =	simm.s32 $0x108;
	s8 =	sld [smem:$0x3FB6]  }
0x2e: {  	s3 =	simm.s32 @!p0 $0x1082;
	s9 =	sld [smem:$0x3FB7]  }
0x2f: {  	lr =	sadd.s32 s0, s3;
	s0 =	sld [smem:$0x3FAE]  }
0x30: {  	s3 =	sld [smem:$0x3FB1]  }
0x31: {  	[smem:$0x3FBA] =	sst s10  }
0x32: {  	s10 =	sld [smem:$0x3FB8];
	_ =	sdelay $0x3  }
0x33: {  	p0 =	seq.s32 s10, $0x1;
	s10 =	sld [smem:$0x3FBA];
	_ =	sdelay $0x3  }
0x34: {  	[smem:$0x3FBA] =	sst s10  }
0x35: {  	s10 =	sld [smem:$0x3FB9];
	_ =	sdelay $0x3  }
0x36: {  	p1 =	seq.s32 s10, $0x1;
	s10 =	sld [smem:$0x3FBA];
	_ =	sdelay $0x3  }
0x37: {  	[smem:$0x3FBA] =	sst s10  }
0x38: {  	s10 =	sld [smem:$0x3FBB]  }
0x39: {  	_ = 	snop;
	(pc) =	sbr.ind lr, $3  }
0x3a: {  	_ = 	snop  }
0x3b: {  	_ = 	snop  }
0x3c: {  	p2 =	seq.s32 s10, $0x1;
	s10 =	sld [smem:$0x3FBA]  }
0x3d: {  	_ =	shalt  }
0x3e: {  	_ =	shalt  }
0x3f: {  	_ =	shalt  }
0x40: {  	_ =	shalt  }
0x41: {  	_ =	shalt  }
0x42: {  	_ =	shalt  }
0x43: {  	_ =	shalt  }
0x44: {  	_ =	shalt  }
0x45: {  	_ =	shalt  }
0x46: {  	_ =	shalt  }
0x47: {  	_ =	shalt  }
0x48: {  	_ =	shalt  }
0x49: {  	_ =	shalt  }
0x4a: {  	_ =	shalt  }
0x4b: {  	_ =	shalt  }
0x4c: {  	_ =	shalt  }
0x4d: {  	_ =	shalt  }
0x4e: {  	_ =	shalt  }
0x4f: {  	_ =	shalt  }
0x50: {  	_ =	shalt  }
0x51: {  	_ =	shalt  }
0x52: {  	_ =	shalt  }
0x53: {  	_ =	shalt  }
0x54: {  	_ =	shalt  }
0x55: {  	_ =	shalt  }
0x56: {  	_ =	shalt  }
0x57: {  	_ =	shalt  }
0x58: {  	_ =	shalt  }
0x59: {  	_ =	shalt  }
0x5a: {  	_ =	shalt  }
0x5b: {  	_ =	shalt  }
0x5c: {  	_ =	shalt  }
0x5d: {  	_ =	shalt  }
0x5e: {  	_ =	shalt  }
0x5f: {  	_ =	shalt  }
0x60: {  	_ =	shalt  }
0x61: {  	_ =	shalt  }
0x62: {  	_ =	shalt  }
0x63: {  	_ =	shalt  }
0x64: {  	_ =	shalt  }
0x65: {  	_ =	shalt  }
0x66: {  	_ =	shalt  }
0x67: {  	_ =	shalt  }
0x68: {  	_ =	shalt  }
0x69: {  	_ =	shalt  }
0x6a: {  	_ =	shalt  }
0x6b: {  	_ =	shalt  }
0x6c: {  	_ =	shalt  }
0x6d: {  	_ =	shalt  }
0x6e: {  	_ =	shalt  }
0x6f: {  	_ =	shalt  }
0x70: {  	_ =	shalt  }
0x71: {  	_ =	shalt  }
0x72: {  	_ =	shalt  }
0x73: {  	_ =	shalt  }
0x74: {  	_ =	shalt  }
0x75: {  	_ =	shalt  }
0x76: {  	_ =	shalt  }
0x77: {  	_ =	shalt  }
0x78: {  	_ =	shalt  }
0x79: {  	_ =	shalt  }
0x7a: {  	_ =	shalt  }
0x7b: {  	_ =	shalt  }
0x7c: {  	_ =	shalt  }
0x7d: {  	_ =	shalt  }
0x7e: {  	_ =	shalt  }
0x7f: {  	_ =	shalt  }
0x80: {  	_ =	shalt  }
0x81: {  	_ =	shalt  }
0x82: {  	_ =	shalt  }
0x83: {  	_ =	shalt  }
0x84: {  	_ =	shalt  }
0x85: {  	_ =	shalt  }
0x86: {  	_ =	shalt  }
0x87: {  	_ =	shalt  }
.Lfunc_end0:
.L_simem_size_0:
called_computation_lowered:
.L_overlay_start_0:
0x88: {  	s2 =	sld [smem:$0x3FD9]  }
0x89: {  	s3 =	sld [smem:$0x3FFE];
	_ =	sdelay $0x1  }
0x8a: {  	s1 =	srdreg.scid  }
0x8b: {  	s0 =	sand.u32 $0x1, s1  }
0x8c: {  	s17 =	sshll.u32 s0, $0xA;
	s2 =	sadd.s32 s3, s2  }
0x8d: {  	s2 =	sadd.s32 s2, s17  }
0x8e: {  	[smem:$0x3FC6] =	sst s2  }
0x8f: {  	_ = 	snop  }
0x90: {  	s2 =	sld [smem:$0x3FD0];
	(tm) =	ssettm $0x1  }
0x91: {  	s18 =	sld [smem:$0x3FFB];
	_ =	sdelay $0x3  }
0x92: {  	_ =	strace s18  }
0x93: {  	s3 =	sld [smem:$0x3FFC];
	_ =	sdelay $0x3  }
0x94: {  	_ =	strace s3  }
0x95: {  	s3 =	sld [smem:$0x3FFD];
	_ =	sdelay $0x3  }
0x96: {  	_ =	strace s3  }
0x97: {  	_ =	strace $0x8FFFFFFF  }
0x98: {  	s19 =	sld [smem:$0x3FDB];
	_ =	sdelay $0x1  }
0x99: {  	s4 =	simm.s32 $_scs_section_size  }
0x9a: {  	s5 =	simm.s32 $_size__tile_overlayer_lowered;
	s6 =	simm.s32 $_tile_overlayer_lowered  }
0x9b: {  	s22 =	simm.s32 $0x1BFF;
	s21 =	sshll.u32 s6, $0x1;
	s3 =	sadd.s32 s4, s19  }
0x9c: {  	s7 =	simm.s32 $0x0;
	s20 =	sshll.u32 s5, $0x1;
	s5 =	sadd.s32 s21, s3  }
0x9d: {  	[timem:s7], [sflag:s22] =	dma.local [hbm:s5], s20  }
0x9e: {  	_ =	swait.ge [sflag:s22], s20  }
0x9f: {  	s4 =	ssub.s32 $0x0, s20;
	[sflag:s22] =	ssyncset.done $0x0  }
0xa0: {  	[sflag:s22] =	ssyncadd.s32 s4;
	_ =	sdelay $0x1  }
0xa1: {  	s23 =	simm.s32 $0x1B8B  }
0xa2: {  	_ =	swait.ge [sflag:s23], $0x1  }
0xa3: {  	[sflag:s23] =	ssyncset.done $0x0  }
0xa4: {  	s25 =	simm.s32 $0x1B8E;
	s24 =	sld [smem:$0x3FFE];
	[sflag:s23] =	ssyncadd.s32 $0xFFFFFFFF  }
0xa5: {  	s26 =	simm.s32 $execute0_lowered;
	[smem:$0x3FD2] =	sst s25  }
0xa6: {  	s5 =	sshll.u32 s26, $0x1;
	_ =	strace $0x80000046;
	[dreg:$0x1] =	wrdreg $0xFFFFFFFF  }
0xa7: {  	s28 =	simm.s32 $_size_execute0_lowered;
	s3 =	sadd.s32 s3, s5;
	[dreg:$0x0] =	wrdreg $0x0  }
0xa8: {  	s5 =	sshll.u32 s28, $0x1;
	[dreg:$0x2] =	wrdreg s3  }
0xa9: {  	[dreg:$0x3] =	wrdreg s5  }
0xaa: {  	[dreg:$0x4] =	wrdreg $0xC0  }
0xab: {  	_ =	task [dreg:s7], $0x5FFFF  }
0xac: {  	[dreg:$0x1] =	wrdreg $0xFFFFFFFF  }
0xad: {  	[dreg:$0x0] =	wrdreg $0x60  }
0xae: {  	[dreg:$0x2] =	wrdreg s24  }
0xaf: {  	[dreg:$0x3] =	wrdreg s2  }
0xb0: {  	[dreg:$0x4] =	wrdreg $0x9  }
0xb1: {  	_ =	task.clear_ibuf [dreg:s7], $0x5FFFF;
	_ =	strace $0x90000046  }
0xb2: {  	s29 =	simm.s32 $0x9;
	_ =	strace $0x80000048  }
0xb3: {  	_ =	swait.ge [sflag:s29], $0x1  }
0xb4: {  	[sflag:s29] =	ssyncadd.s32 $0xFFFFFFFF  }
0xb5: {  	_ =	strace $0x90000048  }
0xb6: {  	_ =	sfence  }
0xb7: {  	s30 =	sld [smem:$0x0];
	_ =	sdelay $0x2  }
0xb8: {  	s31 =	sshll.u32 s1, $0xD;
	s1 =	sshrl.u32 s1, $0x2  }
0xb9: {  	s3 =	sand.u32 $0x4000, s31;
	s1 =	sadd.s32 s1, s30  }
0xba: {  	s0 =	sor.u32 s3, s0;
	s1 =	sshll.u32 s1, $0x11  }
0xbb: {  	s0 =	sor.u32 s1, s0  }
0xbc: {  	s0 =	sadd.s32 $0x8F2B, s0  }
0xbd: {  	[sflag:s0] =	ssyncadd.remote.s32 $0x1  }
0xbe: {  	_ =	sfence.sel $0xFFFF  }
0xbf: {  	[dreg:$0x0] =	wrdreg $0xFFFFFFFF;
	(pc) =	sbr.abs _section_cstart, $3  }
0xc0: {  	[dreg:$0x1] =	wrdreg $0xFFFFFFFF  }
0xc1: {  	_ =	task.clear_ibuf [dreg:s7], $0x2FFFF;
	_ =	strace $0x9FFFFFFF  }
0xc2: {  	(tm) =	ssettm $0x7FFFFFFF  }
0xc3: {  	_ =	shalt  }
tec
execute0_lowered:
.L_overlay_start_1:
0x0: {  	(tag) =	ssettag $0x1  }
0x1: {  	s3 =	rddreg [dreg:$0x0]  }
0x2: {  	s12 =	rddreg [dreg:$0x1]  }
0x3: {  	s0 =	rddreg [dreg:$0x2];
	s2 =	simm.s32 $0x0;
	s4 =	srdreg.scid  }
0x4: {  	s1 =	stileid.u32;
	s16 =	simm.s32 $0x6000;
	s17 =	simm.s32 $0xA000  }
0x5: {  	s18 =	simm.s32 $0xE000;
	s19 =	simm.s32 $0x1;
	s20 =	simm.s32 $0x2  }
0x6: {  	s21 =	simm.s32 $0x3;
	s22 =	simm.s32 $0x4;
	s23 =	simm.s32 $0x0  }
0x7: {  	[smem:$0x7FF] =	sst s2;
	s13 =	sand.u32 $0x1, s4;
	s31 =	sshll.u32 s1, $0x1  }
0x8: {  	s15 =	sshll.u32 s1, $0x12;
	_ =	strace $0x80000047;
	s4 =	sor.u32 s13, s31  }
0x9: {  	s6 =	ssub.s32 $0x2, s13;
	s15 =	sadd.s32 s15, s12;
	s13 =	sshll.u32 s13, $0x11  }
0xa: {  	s5 =	sshll.u32 s4, $0xA;
	s4 =	sshll.u32 s4, $0x11;
	s7 =	sshrl.u32 s6, $0x1  }
0xb: {  	s13 =	sadd.s32 s13, s15;
	s15 =	simm.s32 $0x2000;
	s5 =	sadd.s32 s5, s3  }
0xc: {  	s3 =	sadd.s32 s12, s4;
	s14 =	ssub.s32 s6, s7;
	s4 =	sadd.s32 $0x400, s5  }
0xd: {  	s5 =	sadd.s32 $0x800, s3;
	s6 =	sadd.s32 $0x1000, s3;
	s7 =	sadd.s32 $0x1800, s3  }
0xe: {  	s8 =	sadd.s32 $0x1E000, s3;
	s9 =	sadd.s32 $0x1E800, s3;
	s10 =	sadd.s32 $0x1F000, s3  }
0xf: {  	s11 =	sadd.s32 $0x1F800, s3;
	s12 =	smax.u32 s14, $0x1;
	s14 =	simm.s32 $0x5  }
.LBB2_1:
0x10: {  	[tilespmem:s2], [sflag:$0x5] =	stream.linear.gather [hbm4b:s4+s2], $0x2000, $0x38;
	[tilespmem:$0x12000] =	vst v63  }
0x11: {  	_ =	swait.ge [sflag:s14], $0x2000  }
0x12: {  	[sflag:s14] =	ssyncset.done $0x0  }
0x13: {  	[sflag:s14] =	ssyncadd.s32 $0xFFFFE000  }
0x14: {  	[hbm4b:s3+s2] =	stream.linear.scatter [tilespmem:s15], [sflag:$0x1], $0x4000, $0x38;
	[tilespmem:$0x12000] =	vst v63  }
0x15: {  	_ = 	snop  }
0x16: {  	[hbm4b:s5+s2] =	stream.linear.scatter [tilespmem:s16], [sflag:$0x2], $0x4000, $0x38;
	[tilespmem:$0x12000] =	vst v63  }
0x17: {  	_ = 	snop  }
0x18: {  	[hbm4b:s6+s2] =	stream.linear.scatter [tilespmem:s17], [sflag:$0x3], $0x4000, $0x38;
	[tilespmem:$0x12000] =	vst v63  }
0x19: {  	_ = 	snop  }
0x1a: {  	[hbm4b:s7+s2] =	stream.linear.scatter [tilespmem:s18], [sflag:$0x4], $0x4000, $0x38;
	[tilespmem:$0x12000] =	vst v63  }
0x1b: {  	_ =	swait.ge [sflag:s19], $0x4000  }
0x1c: {  	s25 =	sadd.s32 $0x0, s13;
	[sflag:s19] =	ssyncset.done $0x0  }
0x1d: {  	s24 =	sadd.s32 $0x2000, s25;
	[sflag:s19] =	ssyncadd.s32 $0xFFFFC000  }
0x1e: {  	[hbm4b:s24+s2] =	stream.linear.scatter [tilespmem:s15], [sflag:$0x1], $0x4000, $0x38;
	[tilespmem:$0x12000] =	vst v63  }
0x1f: {  	_ =	swait.ge [sflag:s20], $0x4000  }
0x20: {  	[sflag:s20] =	ssyncset.done $0x0  }
0x21: {  	s30 =	sadd.s32 $0x2800, s25;
	[sflag:s20] =	ssyncadd.s32 $0xFFFFC000  }
0x22: {  	[hbm4b:s30+s2] =	stream.linear.scatter [tilespmem:s16], [sflag:$0x2], $0x4000, $0x38;
	[tilespmem:$0x12000] =	vst v63  }
0x23: {  	_ =	swait.ge [sflag:s21], $0x4000  }
0x24: {  	[sflag:s21] =	ssyncset.done $0x0  }
0x25: {  	s31 =	sadd.s32 $0x3000, s25;
	[sflag:s21] =	ssyncadd.s32 $0xFFFFC000  }
0x26: {  	[hbm4b:s31+s2] =	stream.linear.scatter [tilespmem:s17], [sflag:$0x3], $0x4000, $0x38;
	[tilespmem:$0x12000] =	vst v63  }
0x27: {  	_ =	swait.ge [sflag:s22], $0x4000  }
0x28: {  	[sflag:s22] =	ssyncset.done $0x0  }
0x29: {  	s25 =	sadd.s32 $0x3800, s25;
	s24 =	simm.s32 $0x2000;
	[sflag:s22] =	ssyncadd.s32 $0xFFFFC000  }
.LBB2_2:
0x2a: {  	[hbm4b:s25+s2] =	stream.linear.scatter [tilespmem:s18], [sflag:$0x4], $0x4000, $0x38;
	[tilespmem:$0x12000] =	vst v63  }
0x2b: {  	s25 =	smov.u32 s24  }
0x2c: {  	p0 =	sne.s32 s24, $0x1A000;
	s24 =	sadd.s32 $0x2000, s24;
	_ =	swait.ge [sflag:s19], $0x4000  }
0x2d: {  	s25 =	sadd.s32 s25, s13;
	[sflag:s19] =	ssyncset.done $0x0  }
0x2e: {  	s26 =	sadd.s32 $0x2000, s25;
	[sflag:s19] =	ssyncadd.s32 $0xFFFFC000  }
0x2f: {  	[hbm4b:s26+s2] =	stream.linear.scatter [tilespmem:s15], [sflag:$0x1], $0x4000, $0x38;
	[tilespmem:$0x12000] =	vst v63  }
0x30: {  	_ =	swait.ge [sflag:s20], $0x4000  }
0x31: {  	[sflag:s20] =	ssyncset.done $0x0  }
0x32: {  	s26 =	sadd.s32 $0x2800, s25;
	[sflag:s20] =	ssyncadd.s32 $0xFFFFC000  }
0x33: {  	[hbm4b:s26+s2] =	stream.linear.scatter [tilespmem:s16], [sflag:$0x2], $0x4000, $0x38;
	[tilespmem:$0x12000] =	vst v63  }
0x34: {  	_ =	swait.ge [sflag:s21], $0x4000  }
0x35: {  	[sflag:s21] =	ssyncset.done $0x0  }
.Ltmp0:
0x36: {  	s26 =	sadd.s32 $0x3000, s25;
	[sflag:s21] =	ssyncadd.s32 $0xFFFFC000;
	(pc) =	sbr.rel @p0 .LBB2_2-.Ltmp0, $4  }
0x37: {  	[hbm4b:s26+s2] =	stream.linear.scatter [tilespmem:s17], [sflag:$0x3], $0x4000, $0x38;
	[tilespmem:$0x12000] =	vst v63  }
0x38: {  	_ =	swait.ge [sflag:s22], $0x4000  }
0x39: {  	[sflag:s22] =	ssyncset.done $0x0  }
0x3a: {  	s25 =	sadd.s32 $0x3800, s25;
	[sflag:s22] =	ssyncadd.s32 $0xFFFFC000  }
0x3b: {  	[hbm4b:s25+s2] =	stream.linear.scatter [tilespmem:s18], [sflag:$0x4], $0x4000, $0x38;
	[tilespmem:$0x12000] =	vst v63  }
0x3c: {  	_ =	swait.ge [sflag:s19], $0x4000  }
0x3d: {  	[sflag:s19] =	ssyncset.done $0x0  }
0x3e: {  	[sflag:s19] =	ssyncadd.s32 $0xFFFFC000  }
0x3f: {  	[hbm4b:s8+s2] =	stream.linear.scatter [tilespmem:s15], [sflag:$0x1], $0x4000, $0x38;
	[tilespmem:$0x12000] =	vst v63  }
0x40: {  	_ =	swait.ge [sflag:s20], $0x4000  }
0x41: {  	[sflag:s20] =	ssyncset.done $0x0  }
0x42: {  	[sflag:s20] =	ssyncadd.s32 $0xFFFFC000  }
0x43: {  	[hbm4b:s9+s2] =	stream.linear.scatter [tilespmem:s16], [sflag:$0x2], $0x4000, $0x38;
	[tilespmem:$0x12000] =	vst v63  }
0x44: {  	_ =	swait.ge [sflag:s21], $0x4000  }
0x45: {  	[sflag:s21] =	ssyncset.done $0x0  }
0x46: {  	[sflag:s21] =	ssyncadd.s32 $0xFFFFC000  }
0x47: {  	[hbm4b:s10+s2] =	stream.linear.scatter [tilespmem:s17], [sflag:$0x3], $0x4000, $0x38;
	[tilespmem:$0x12000] =	vst v63  }
0x48: {  	_ =	swait.ge [sflag:s22], $0x4000  }
0x49: {  	[sflag:s22] =	ssyncset.done $0x0  }
0x4a: {  	[sflag:s22] =	ssyncadd.s32 $0xFFFFC000  }
0x4b: {  	[hbm4b:s11+s2] =	stream.linear.scatter [tilespmem:s18], [sflag:$0x4], $0x4000, $0x38;
	[tilespmem:$0x12000] =	vst v63  }
0x4c: {  	_ =	swait.ge [sflag:s19], $0x4000  }
0x4d: {  	[sflag:s19] =	ssyncset.done $0x0  }
0x4e: {  	[sflag:s19] =	ssyncadd.s32 $0xFFFFC000  }
0x4f: {  	_ =	swait.ge [sflag:s20], $0x4000  }
0x50: {  	[sflag:s20] =	ssyncset.done $0x0  }
0x51: {  	s23 =	sadd.s32 $0x1, s23;
	[sflag:s20] =	ssyncadd.s32 $0xFFFFC000  }
0x52: {  	p0 =	sne.s32 s23, s12;
	_ =	swait.ge [sflag:s21], $0x4000  }
.Ltmp1:
0x53: {  	[sflag:s21] =	ssyncset.done $0x0;
	(pc) =	sbr.rel @p0 .LBB2_1-.Ltmp1, $4  }
0x54: {  	[sflag:s21] =	ssyncadd.s32 $0xFFFFC000  }
0x55: {  	_ =	swait.ge [sflag:s22], $0x4000  }
0x56: {  	[sflag:s22] =	ssyncset.done $0x0  }
0x57: {  	[sflag:s22] =	ssyncadd.s32 $0xFFFFC000  }
0x58: {  	_ =	sfence.sel $0x180000  }
0x59: {  	[bflag:$0x0] =	sbarrier.arrive $0xFFFF  }
0x5a: {  	p0 =	sne.s32 s1, $0x0;
	_ =	strace $0x90000047  }
0x5b: {  	s0 =	sadd.s32 @!p0 $0x100000, s0;
	[bflag:$0x2] =	sbarrier.arrive $0xFFFF  }
0x5c: {  	[sflag:s0] =	ssyncadd.tile.s32 @!p0 $0x1;
	_ =	shalt  }
.Lfunc_end2:
_tile_overlayer_lowered:
.L_overlay_start_2:
0x5d: {  	(tag) =	ssettag $0x2  }
0x5e: {  	s0 =	rddreg [dreg:$0x0];
	s2 =	stileid.u32  }
0x5f: {  	s1 =	rddreg [dreg:$0x1];
	p0 =	sne.s32 s2, $0x0  }
0x60: {  	s3 =	rddreg [dreg:$0x2];
	[bflag:$0x3] =	sbarrier.arrive $0xFFFF;
	s2 =	simm.s32 @!p0 $0x1C05  }
0x61: {  	[timem:s3], [sflag:s2] =	dma.local @!p0 [hbm:s0], s1  }
0x62: {  	s0 =	simm.s32 @!p0 $0x5  }
0x63: {  	_ =	swait.ge @!p0 [sflag:s0], s1  }
0x64: {  	s1 =	ssub.s32 @!p0 $0x0, s1;
	[sflag:s0] =	ssyncset.done @!p0 $0x0  }
0x65: {  	[sflag:s0] =	ssyncadd.s32 @!p0 s1  }
0x66: {  	[bflag:$0x3] =	sbarrier.arrive $0xFFFF  }
0x67: {  	_ =	shalt  }

</sc_bundles>
